<compile_context>
chip_gen: v7x
topology: tpu7x:2x2x1
jax: 0.10.2.dev20260603
libtpu: 0.0.44.dev20260713+nightly
codegen_flags: <defaults>
</compile_context>

<pallas_src>
import functools

import jax
import jax.numpy as jnp
from jax import lax
from jax.experimental import pallas as pl
from jax.experimental.pallas import tpu as pltpu
from jax.experimental.pallas import tpu_sc as plsc

B = 8
T = 8192
V = 100000
D = 64
NC = 8
NS = 8
H = 512
OUT = 128

NUM_WORKERS = 32
DIMS_PER_W = D // NUM_WORKERS
NCC = T // 128
CTX_N = B * NC

TM = 512
GRID = T // TM


def _sc_body(seq_t, ids_flat, ctx_t, cids_hbm, x_out, ctx_out,
             rowbuf, idbuf, outbuf, outbuf2, cidbuf, coutbuf, sem, wsem):
    c = lax.axis_index("c")
    s = lax.axis_index("s")
    wid = s * 2 + c
    zeros = jnp.zeros((16,), jnp.int32)

    pltpu.sync_copy(cids_hbm, cidbuf)

    outbufs = (outbuf, outbuf2)
    pending = [None, None]
    for rr in range(DIMS_PER_W):
        d = wid * DIMS_PER_W + rr
        pltpu.sync_copy(seq_t.at[d], rowbuf)
        for f in range(NS):
            pltpu.sync_copy(ids_flat.at[pl.ds(f * T, T)], idbuf)
            ob = outbufs[f % 2]
            if pending[f % 2] is not None:
                pending[f % 2].wait()
                pending[f % 2] = None

            def gbody(i, carry):
                idx = idbuf[pl.ds(i * 16, 16)]
                ob[pl.ds(i * 16, 16)] = plsc.load_gather(rowbuf, [idx])
                return carry

            lax.fori_loop(0, T // 16, gbody, 0)
            r = f * D + d
            pending[f % 2] = pltpu.async_copy(
                ob, x_out.at[pl.ds(r * T, T)], wsem)
        for p in range(2):
            if pending[p] is not None:
                pending[p].wait()
                pending[p] = None

        pltpu.sync_copy(ctx_t.at[d], rowbuf)
        for k in range(CTX_N // 16):
            cidx = cidbuf[pl.ds(k * 16, 16)]
            coutbuf[pl.ds(k * 16, 16)] = plsc.load_gather(rowbuf, [cidx])
        pltpu.sync_copy(coutbuf, ctx_out.at[pl.ds(d * CTX_N, CTX_N)])


@functools.cache
def _sc_gather():
    return pl.kernel(
        _sc_body,
        out_type=[
            jax.ShapeDtypeStruct((NCC * NS * D * 128,), jnp.float32),
            jax.ShapeDtypeStruct((D * CTX_N,), jnp.float32),
        ],
        mesh=plsc.VectorSubcoreMesh(core_axis_name="c", subcore_axis_name="s"),
        compiler_params=pltpu.CompilerParams(use_tc_tiling_on_sc=True,
                                             needs_layout_passes=False),
        scratch_types=[
            pltpu.VMEM((V,), jnp.float32),
            pltpu.VMEM((T,), jnp.int32),
            pltpu.VMEM((T,), jnp.float32),
            pltpu.VMEM((T,), jnp.float32),
            pltpu.VMEM((CTX_N,), jnp.int32),
            pltpu.VMEM((CTX_N,), jnp.float32),
            pltpu.SemaphoreType.DMA,
            pltpu.SemaphoreType.DMA,
        ],
    )


def _tc_body(x_ref, ctx_ref, rid_ref,
             wc1, bc1, wc2, bc2,
             w01, b01, w02, b02, w11, b11, w12, b12,
             ce_ref, ae_ref, sc_ref):
    @pl.when(pl.program_id(0) == 0)
    def _():
        cin = ctx_ref[...]
        hc = bc1[...]
        for f in range(NC):
            hc = hc + lax.dot_general(
                cin[:, f * B:(f + 1) * B], wc1[f * D:(f + 1) * D, :],
                (((0,), (0,)), ((), ())),
                preferred_element_type=jnp.float32)
        hc = jnp.maximum(hc, 0.0)
        ce_ref[...] = jnp.dot(hc, wc2[...],
                              preferred_element_type=jnp.float32) + bc2[...]

    i = pl.program_id(0)
    xt = jnp.concatenate(
        [x_ref[:, pl.ds(4 * i + j, 1), :].reshape(NS * D, 128)
         for j in range(4)], axis=1)
    h0 = jnp.maximum(
        lax.dot_general(w01[...], xt, (((0,), (0,)), ((), ())),
                        preferred_element_type=jnp.float32) + b01[...], 0.0)
    a0 = lax.dot_general(h0, w02[...], (((0,), (0,)), ((), ())),
                         preferred_element_type=jnp.float32) + b02[...]
    h1 = jnp.maximum(
        lax.dot_general(w11[...], xt, (((0,), (0,)), ((), ())),
                        preferred_element_type=jnp.float32) + b11[...], 0.0)
    a1 = lax.dot_general(h1, w12[...], (((0,), (0,)), ((), ())),
                         preferred_element_type=jnp.float32) + b12[...]
    ae_ref[0] = a0
    ae_ref[1] = a1

    ce = ce_ref[...]
    onehot = (rid_ref[...] == lax.broadcasted_iota(jnp.int32, (TM, B), 1)
              ).astype(jnp.float32)
    aligned = jnp.dot(onehot, ce, preferred_element_type=jnp.float32)
    s0 = jnp.sum(aligned * a0, axis=-1, keepdims=True)
    s1 = jnp.sum(aligned * a1, axis=-1, keepdims=True)
    sc_ref[...] = jnp.concatenate([s0, s1], axis=1)


_tc_grid_spec = dict(
    grid=(GRID,),
    in_specs=[
        pl.BlockSpec((NS * D, NCC, 128), lambda i: (0, 0, 0)),
        pl.BlockSpec((D, CTX_N), lambda i: (0, 0)),
        pl.BlockSpec((TM, 1), lambda i: (i, 0)),
        pl.BlockSpec((NC * D, H), lambda i: (0, 0)),
        pl.BlockSpec((1, H), lambda i: (0, 0)),
        pl.BlockSpec((H, OUT), lambda i: (0, 0)),
        pl.BlockSpec((1, OUT), lambda i: (0, 0)),
        pl.BlockSpec((NS * D, H), lambda i: (0, 0)),
        pl.BlockSpec((H, 1), lambda i: (0, 0)),
        pl.BlockSpec((H, OUT), lambda i: (0, 0)),
        pl.BlockSpec((1, OUT), lambda i: (0, 0)),
        pl.BlockSpec((NS * D, H), lambda i: (0, 0)),
        pl.BlockSpec((H, 1), lambda i: (0, 0)),
        pl.BlockSpec((H, OUT), lambda i: (0, 0)),
        pl.BlockSpec((1, OUT), lambda i: (0, 0)),
    ],
    out_specs=[
        pl.BlockSpec((B, OUT), lambda i: (0, 0)),
        pl.BlockSpec((2, TM, OUT), lambda i: (0, i, 0)),
        pl.BlockSpec((TM, 2), lambda i: (i, 0)),
    ],
)


def kernel(context_ids, seq_ids, row_ids, ctx_table, seq_table,
           Wc1, bc1, Wc2, bc2,
           Wa0_1, ba0_1, Wa0_2, ba0_2,
           Wa1_1, ba1_1, Wa1_2, ba1_2):
    seq_t = seq_table.T
    ctx_t = ctx_table.T
    ids_flat = seq_ids.astype(jnp.int32).T.reshape(-1)
    cids = context_ids.astype(jnp.int32).T.reshape(-1)

    x_flat, ctx_flat = _sc_gather()(seq_t, ids_flat, ctx_t, cids)
    x5 = x_flat.reshape(NS * D, NCC, 128)
    ctx_in = ctx_flat.reshape(D, CTX_N)
    rid2d = row_ids.reshape(T, 1).astype(jnp.int32)

    ce, ae, scores = pl.pallas_call(
        _tc_body,
        out_shape=[
            jax.ShapeDtypeStruct((B, OUT), jnp.float32),
            jax.ShapeDtypeStruct((2, T, OUT), jnp.float32),
            jax.ShapeDtypeStruct((T, 2), jnp.float32),
        ],
        compiler_params=pltpu.CompilerParams(
            dimension_semantics=("arbitrary",)),
        **_tc_grid_spec,
    )(x5, ctx_in, rid2d,
      Wc1, bc1.reshape(1, H), Wc2, bc2.reshape(1, OUT),
      Wa0_1, ba0_1.reshape(H, 1), Wa0_2, ba0_2.reshape(1, OUT),
      Wa1_1, ba1_1.reshape(H, 1), Wa1_2, ba1_2.reshape(1, OUT))
    return ce, ae, scores

# --- scband reference (transcript-rebuilt; emitter-appended) ---
"""Pipeline reference for scband-facade-model-36593121362289 (READ-ONLY COPY).

The authoritative reference and input builder live on the scoring server;
editing this copy changes nothing except your own understanding.
"""

import jax, jax.numpy as jnp
import numpy as np

B = 8
T = 8192
V = 100000
D = 64
NC = 8
NS = 8
H = 512
OUT = 128


def setup_inputs(seed: int = 0) -> dict:
    key = jax.random.key(seed)
    ks = jax.random.split(key, 20)
    context_ids = jax.random.randint(ks[0], (B, NC), 0, V)
    seq_ids = jax.random.randint(ks[1], (T, NS), 0, V)
    row_ids = jnp.sort(jax.random.randint(ks[2], (T,), 0, B))
    ctx_table = jax.random.normal(ks[3], (V, D), dtype=jnp.float32) * 0.02
    seq_table = jax.random.normal(ks[4], (V, D), dtype=jnp.float32) * 0.02
    din = NC * D
    Wc1 = jax.random.normal(ks[5], (din, H), dtype=jnp.float32) / np.sqrt(din)
    bc1 = jnp.zeros((H,), dtype=jnp.float32)
    Wc2 = jax.random.normal(ks[6], (H, OUT), dtype=jnp.float32) / np.sqrt(H)
    bc2 = jnp.zeros((OUT,), dtype=jnp.float32)
    sin = NS * D
    Wa0_1 = jax.random.normal(ks[7], (sin, H), dtype=jnp.float32) / np.sqrt(sin)
    ba0_1 = jnp.zeros((H,), dtype=jnp.float32)
    Wa0_2 = jax.random.normal(ks[8], (H, OUT), dtype=jnp.float32) / np.sqrt(H)
    ba0_2 = jnp.zeros((OUT,), dtype=jnp.float32)
    Wa1_1 = jax.random.normal(ks[9], (sin, H), dtype=jnp.float32) / np.sqrt(sin)
    ba1_1 = jnp.zeros((H,), dtype=jnp.float32)
    Wa1_2 = jax.random.normal(ks[10], (H, OUT), dtype=jnp.float32) / np.sqrt(H)
    ba1_2 = jnp.zeros((OUT,), dtype=jnp.float32)
    return dict(context_ids=context_ids, seq_ids=seq_ids, row_ids=row_ids,
                ctx_table=ctx_table, seq_table=seq_table,
                Wc1=Wc1, bc1=bc1, Wc2=Wc2, bc2=bc2,
                Wa0_1=Wa0_1, ba0_1=ba0_1, Wa0_2=Wa0_2, ba0_2=ba0_2,
                Wa1_1=Wa1_1, ba1_1=ba1_1, Wa1_2=Wa1_2, ba1_2=ba1_2)


def reference(context_ids, seq_ids, row_ids, ctx_table, seq_table,
              Wc1, bc1, Wc2, bc2,
              Wa0_1, ba0_1, Wa0_2, ba0_2,
              Wa1_1, ba1_1, Wa1_2, ba1_2):
    # TokenLookupEmbedders: per-field embedding lookup then concatenate.
    ctx_feats = jnp.take(ctx_table, context_ids, axis=0).reshape(context_ids.shape[0], -1)
    # ConcatenateThenSNNTower (context tower): MLP producing context embeddings.
    hc = jax.nn.relu(ctx_feats @ Wc1 + bc1)
    context_embeddings = hc @ Wc2 + bc2
    # Sequence (ragged flat_values) token embedding lookup + concat.
    seq_feats = jnp.take(seq_table, seq_ids, axis=0).reshape(seq_ids.shape[0], -1)
    # Per-action ConcatenateThenSNNTower over ragged flat values.
    def tower(W1, b1, W2, b2):
        return jax.nn.relu(seq_feats @ W1 + b1) @ W2 + b2
    a0 = tower(Wa0_1, ba0_1, Wa0_2, ba0_2)
    a1 = tower(Wa1_1, ba1_1, Wa1_2, ba1_2)
    # Align contexts to ragged action rows via value_rowids gather, then dot-product scorer.
    aligned = jnp.take(context_embeddings, row_ids, axis=0)
    s0 = jnp.sum(aligned * a0, axis=-1)
    s1 = jnp.sum(aligned * a1, axis=-1)
    scores = jnp.stack([s0, s1], axis=-1)
    action_embeddings = jnp.stack([a0, a1], axis=0)
    return context_embeddings, action_embeddings, scores

if __name__ == "__main__":
    import jax
    _d = setup_inputs()
    print(jax.jit(kernel)(*tuple(_d.values())))

</pallas_src>

<mosaic_0001>
#map = affine_map<(d0, d1) -> (0, 0)>
#map1 = affine_map<(d0, d1) -> (0)>
module attributes {stable_mosaic.version = 14 : i64} {
  func.func @_sc_body(%arg0: i32, %arg1: i32, %arg2: memref<64x100000xf32, #tpu.memory_space<hbm>>, %arg3: memref<65536xi32, #tpu.memory_space<hbm>>, %arg4: memref<64x100000xf32, #tpu.memory_space<hbm>>, %arg5: memref<64xi32, #tpu.memory_space<hbm>>, %arg6: memref<4194304xf32, #tpu.memory_space<hbm>>, %arg7: memref<4096xf32, #tpu.memory_space<hbm>>, %arg8: memref<100000xf32, #tpu.memory_space<vmem>>, %arg9: memref<8192xi32, #tpu.memory_space<vmem>>, %arg10: memref<8192xf32, #tpu.memory_space<vmem>>, %arg11: memref<8192xf32, #tpu.memory_space<vmem>>, %arg12: memref<64xi32, #tpu.memory_space<vmem>>, %arg13: memref<64xf32, #tpu.memory_space<vmem>>, %arg14: memref<!tpu.dma_semaphore, #tpu.memory_space<semaphore_mem>>, %arg15: memref<!tpu.dma_semaphore, #tpu.memory_space<semaphore_mem>>) attributes {dimension_semantics = [#tpu.dimension_semantics<core_parallel>, #tpu.dimension_semantics<subcore_parallel>], iteration_bounds = array<i64: 2, 16>, scalar_prefetch = 0 : i64, scratch_operands = 8 : i64, tpu.core_type = #tpu.core_type<sc_vector_subcore>, window_params = [{transform_indices = #map}, {transform_indices = #map1}, {transform_indices = #map}, {transform_indices = #map1}, {transform_indices = #map1}, {transform_indices = #map1}]} {
    %mul3A = arith.constant 2 : i32
    %mul3A_0 = arith.muli %arg1, %mul3A : i32
    %add3A = arith.addi %mul3A_0, %arg0 : i32
    %broadcast_in_dim3A = arith.constant 0 : i32
    %broadcast_in_dim3A_1 = vector.broadcast %broadcast_in_dim3A : i32 to vector<16xi32>
    "tpu.region"() ({
      %run_scoped3A = tpu.sem_alloc : memref<!tpu.dma_semaphore, #tpu.memory_space<semaphore_mem>>
      tpu.enqueue_dma source(%arg5 : memref<64xi32, #tpu.memory_space<hbm>>) target(%arg12 : memref<64xi32, #tpu.memory_space<vmem>>) target_semaphore(%run_scoped3A : memref<!tpu.dma_semaphore, #tpu.memory_space<semaphore_mem>>)
      tpu.wait_dma2 semaphore(%run_scoped3A : memref<!tpu.dma_semaphore, #tpu.memory_space<semaphore_mem>>) src(%arg5 : memref<64xi32, #tpu.memory_space<hbm>>) dst(%arg12 : memref<64xi32, #tpu.memory_space<vmem>>)
      tpu.yield
    }) : () -> ()
    %mul3A_2 = arith.constant 2 : i32
    %mul3A_3 = arith.muli %add3A, %mul3A_2 : i32
    %add3A_4 = arith.constant 0 : i32
    %add3A_5 = arith.addi %mul3A_3, %add3A_4 : i32
    "tpu.region"() ({
      %run_scoped3A = tpu.sem_alloc : memref<!tpu.dma_semaphore, #tpu.memory_space<semaphore_mem>>
      %dma_start3A_272 = arith.constant 0 : i32
      %dma_start3A_273 = tpu.memref_slice %arg2[%add3A_5, %dma_start3A_272] : memref<64x100000xf32, #tpu.memory_space<hbm>> -> memref<1x100000xf32, #tpu.memory_space<hbm>>
      %dma_start3A_274 = tpu.memref_squeeze %dma_start3A_273 : memref<1x100000xf32, #tpu.memory_space<hbm>> -> memref<100000xf32, #tpu.memory_space<hbm>>
      %dma_start3A_275 = arith.constant 0 : i32
      %dma_start3A_276 = tpu.memref_slice %arg2[%add3A_5, %dma_start3A_275] : memref<64x100000xf32, #tpu.memory_space<hbm>> -> memref<1x100000xf32, #tpu.memory_space<hbm>>
      %dma_start3A_277 = tpu.memref_squeeze %dma_start3A_276 : memref<1x100000xf32, #tpu.memory_space<hbm>> -> memref<100000xf32, #tpu.memory_space<hbm>>
      tpu.enqueue_dma source(%dma_start3A_277 : memref<100000xf32, #tpu.memory_space<hbm>>) target(%arg8 : memref<100000xf32, #tpu.memory_space<vmem>>) target_semaphore(%run_scoped3A : memref<!tpu.dma_semaphore, #tpu.memory_space<semaphore_mem>>)
      %dma_wait3A_278 = arith.constant 0 : i32
      %dma_wait3A_279 = tpu.memref_slice %arg2[%add3A_5, %dma_wait3A_278] : memref<64x100000xf32, #tpu.memory_space<hbm>> -> memref<1x100000xf32, #tpu.memory_space<hbm>>
      %dma_wait3A_280 = tpu.memref_squeeze %dma_wait3A_279 : memref<1x100000xf32, #tpu.memory_space<hbm>> -> memref<100000xf32, #tpu.memory_space<hbm>>
      %dma_wait3A_281 = arith.constant 0 : i32
      %dma_wait3A_282 = tpu.memref_slice %arg2[%add3A_5, %dma_wait3A_281] : memref<64x100000xf32, #tpu.memory_space<hbm>> -> memref<1x100000xf32, #tpu.memory_space<hbm>>
      %dma_wait3A_283 = tpu.memref_squeeze %dma_wait3A_282 : memref<1x100000xf32, #tpu.memory_space<hbm>> -> memref<100000xf32, #tpu.memory_space<hbm>>
      tpu.wait_dma2 semaphore(%run_scoped3A : memref<!tpu.dma_semaphore, #tpu.memory_space<semaphore_mem>>) src(%dma_wait3A_283 : memref<100000xf32, #tpu.memory_space<hbm>>) dst(%arg8 : memref<100000xf32, #tpu.memory_space<vmem>>)
      tpu.yield
    }) : () -> ()
    "tpu.region"() ({
      %run_scoped3A = tpu.sem_alloc : memref<!tpu.dma_semaphore, #tpu.memory_space<semaphore_mem>>
      %dma_start3A_272 = arith.constant 0 : i32
      %dma_start3A_273 = tpu.memref_slice %arg3[%dma_start3A_272] : memref<65536xi32, #tpu.memory_space<hbm>> -> memref<8192xi32, #tpu.memory_space<hbm>>
      %dma_start3A_274 = arith.constant 0 : i32
      %dma_start3A_275 = tpu.memref_slice %arg3[%dma_start3A_274] : memref<65536xi32, #tpu.memory_space<hbm>> -> memref<8192xi32, #tpu.memory_space<hbm>>
      tpu.enqueue_dma source(%dma_start3A_275 : memref<8192xi32, #tpu.memory_space<hbm>>) target(%arg9 : memref<8192xi32, #tpu.memory_space<vmem>>) target_semaphore(%run_scoped3A : memref<!tpu.dma_semaphore, #tpu.memory_space<semaphore_mem>>)
      %dma_wait3A_276 = arith.constant 0 : i32
      %dma_wait3A_277 = tpu.memref_slice %arg3[%dma_wait3A_276] : memref<65536xi32, #tpu.memory_space<hbm>> -> memref<8192xi32, #tpu.memory_space<hbm>>
      %dma_wait3A_278 = arith.constant 0 : i32
      %dma_wait3A_279 = tpu.memref_slice %arg3[%dma_wait3A_278] : memref<65536xi32, #tpu.memory_space<hbm>> -> memref<8192xi32, #tpu.memory_space<hbm>>
      tpu.wait_dma2 semaphore(%run_scoped3A : memref<!tpu.dma_semaphore, #tpu.memory_space<semaphore_mem>>) src(%dma_wait3A_279 : memref<8192xi32, #tpu.memory_space<hbm>>) dst(%arg9 : memref<8192xi32, #tpu.memory_space<vmem>>)
      tpu.yield
    }) : () -> ()
    %scan3A = arith.constant 0 : i32
    %scan3A_6 = arith.constant 0 : i32
    %scan3A_7 = arith.constant 512 : i32
    %scan3A_8 = arith.addi %scan3A_6, %scan3A_7 : i32
    %scan3A_9 = arith.constant 1 : i32
    scf.for %scan3A_272 = %scan3A_6 to %scan3A_8 step %scan3A_9  : i32 {
      %mul3A_273 = arith.constant 16 : i32
      %mul3A_274 = arith.muli %scan3A_272, %mul3A_273 : i32
      %get3A_275 = arith.index_cast %mul3A_274 : i32 to index
      %get3A_276 = tpu.vector_load %arg9[%get3A_275] {strides = array<i32>} : memref<8192xi32, #tpu.memory_space<vmem>>, vector<16xi32>,
      %gather3A_277 = tpu.vector_load_idx %arg8[%get3A_276] : memref<100000xf32, #tpu.memory_space<vmem>>[vector<16xi32>], vector<16xf32>,
      %mul3A_278 = arith.constant 16 : i32
      %mul3A_279 = arith.muli %scan3A_272, %mul3A_278 : i32
      %swap3A_280 = arith.index_cast %mul3A_279 : i32 to index
      %swap3A_281 = tpu.vector_load %arg10[%swap3A_280] {strides = array<i32>} : memref<8192xf32, #tpu.memory_space<vmem>>, vector<16xf32>,
      tpu.vector_store %arg10[%swap3A_280], %gather3A_277 {strides = array<i32>} : memref<8192xf32, #tpu.memory_space<vmem>>, vector<16xf32>,
    }
    %scan3A_10 = arith.constant 512 : i32
    %add3A_11 = arith.constant 0 : i32
    %add3A_12 = arith.addi %add3A_11, %add3A_5 : i32
    %mul3A_13 = arith.constant 8192 : i32
    %mul3A_14 = arith.muli %add3A_12, %mul3A_13 : i32
    %dma_start3A = tpu.memref_slice %arg6[%mul3A_14] : memref<4194304xf32, #tpu.memory_space<hbm>> -> memref<8192xf32, #tpu.memory_space<hbm>>
    %dma_start3A_15 = tpu.memref_slice %arg6[%mul3A_14] : memref<4194304xf32, #tpu.memory_space<hbm>> -> memref<8192xf32, #tpu.memory_space<hbm>>
    tpu.enqueue_dma source(%arg10 : memref<8192xf32, #tpu.memory_space<vmem>>) target(%dma_start3A_15 : memref<8192xf32, #tpu.memory_space<hbm>>) target_semaphore(%arg15 : memref<!tpu.dma_semaphore, #tpu.memory_space<semaphore_mem>>)
    "tpu.region"() ({
      %run_scoped3A = tpu.sem_alloc : memref<!tpu.dma_semaphore, #tpu.memory_space<semaphore_mem>>
      %dma_start3A_272 = arith.constant 8192 : i32
      %dma_start3A_273 = tpu.memref_slice %arg3[%dma_start3A_272] : memref<65536xi32, #tpu.memory_space<hbm>> -> memref<8192xi32, #tpu.memory_space<hbm>>
      %dma_start3A_274 = arith.constant 8192 : i32
      %dma_start3A_275 = tpu.memref_slice %arg3[%dma_start3A_274] : memref<65536xi32, #tpu.memory_space<hbm>> -> memref<8192xi32, #tpu.memory_space<hbm>>
      tpu.enqueue_dma source(%dma_start3A_275 : memref<8192xi32, #tpu.memory_space<hbm>>) target(%arg9 : memref<8192xi32, #tpu.memory_space<vmem>>) target_semaphore(%run_scoped3A : memref<!tpu.dma_semaphore, #tpu.memory_space<semaphore_mem>>)
      %dma_wait3A_276 = arith.constant 8192 : i32
      %dma_wait3A_277 = tpu.memref_slice %arg3[%dma_wait3A_276] : memref<65536xi32, #tpu.memory_space<hbm>> -> memref<8192xi32, #tpu.memory_space<hbm>>
      %dma_wait3A_278 = arith.constant 8192 : i32
      %dma_wait3A_279 = tpu.memref_slice %arg3[%dma_wait3A_278] : memref<65536xi32, #tpu.memory_space<hbm>> -> memref<8192xi32, #tpu.memory_space<hbm>>
      tpu.wait_dma2 semaphore(%run_scoped3A : memref<!tpu.dma_semaphore, #tpu.memory_space<semaphore_mem>>) src(%dma_wait3A_279 : memref<8192xi32, #tpu.memory_space<hbm>>) dst(%arg9 : memref<8192xi32, #tpu.memory_space<vmem>>)
      tpu.yield
    }) : () -> ()
    %scan3A_16 = arith.constant 0 : i32
    %scan3A_17 = arith.constant 0 : i32
    %scan3A_18 = arith.constant 512 : i32
    %scan3A_19 = arith.addi %scan3A_17, %scan3A_18 : i32
    %scan3A_20 = arith.constant 1 : i32
    scf.for %scan3A_272 = %scan3A_17 to %scan3A_19 step %scan3A_20  : i32 {
      %mul3A_273 = arith.constant 16 : i32
      %mul3A_274 = arith.muli %scan3A_272, %mul3A_273 : i32
      %get3A_275 = arith.index_cast %mul3A_274 : i32 to index
      %get3A_276 = tpu.vector_load %arg9[%get3A_275] {strides = array<i32>} : memref<8192xi32, #tpu.memory_space<vmem>>, vector<16xi32>,
      %gather3A_277 = tpu.vector_load_idx %arg8[%get3A_276] : memref<100000xf32, #tpu.memory_space<vmem>>[vector<16xi32>], vector<16xf32>,
      %mul3A_278 = arith.constant 16 : i32
      %mul3A_279 = arith.muli %scan3A_272, %mul3A_278 : i32
      %swap3A_280 = arith.index_cast %mul3A_279 : i32 to index
      %swap3A_281 = tpu.vector_load %arg11[%swap3A_280] {strides = array<i32>} : memref<8192xf32, #tpu.memory_space<vmem>>, vector<16xf32>,
      tpu.vector_store %arg11[%swap3A_280], %gather3A_277 {strides = array<i32>} : memref<8192xf32, #tpu.memory_space<vmem>>, vector<16xf32>,
    }
    %scan3A_21 = arith.constant 512 : i32
    %add3A_22 = arith.constant 64 : i32
    %add3A_23 = arith.addi %add3A_22, %add3A_5 : i32
    %mul3A_24 = arith.constant 8192 : i32
    %mul3A_25 = arith.muli %add3A_23, %mul3A_24 : i32
    %dma_start3A_26 = tpu.memref_slice %arg6[%mul3A_25] : memref<4194304xf32, #tpu.memory_space<hbm>> -> memref<8192xf32, #tpu.memory_space<hbm>>
    %dma_start3A_27 = tpu.memref_slice %arg6[%mul3A_25] : memref<4194304xf32, #tpu.memory_space<hbm>> -> memref<8192xf32, #tpu.memory_space<hbm>>
    tpu.enqueue_dma source(%arg11 : memref<8192xf32, #tpu.memory_space<vmem>>) target(%dma_start3A_27 : memref<8192xf32, #tpu.memory_space<hbm>>) target_semaphore(%arg15 : memref<!tpu.dma_semaphore, #tpu.memory_space<semaphore_mem>>)
    "tpu.region"() ({
      %run_scoped3A = tpu.sem_alloc : memref<!tpu.dma_semaphore, #tpu.memory_space<semaphore_mem>>
      %dma_start3A_272 = arith.constant 16384 : i32
      %dma_start3A_273 = tpu.memref_slice %arg3[%dma_start3A_272] : memref<65536xi32, #tpu.memory_space<hbm>> -> memref<8192xi32, #tpu.memory_space<hbm>>
      %dma_start3A_274 = arith.constant 16384 : i32
      %dma_start3A_275 = tpu.memref_slice %arg3[%dma_start3A_274] : memref<65536xi32, #tpu.memory_space<hbm>> -> memref<8192xi32, #tpu.memory_space<hbm>>
      tpu.enqueue_dma source(%dma_start3A_275 : memref<8192xi32, #tpu.memory_space<hbm>>) target(%arg9 : memref<8192xi32, #tpu.memory_space<vmem>>) target_semaphore(%run_scoped3A : memref<!tpu.dma_semaphore, #tpu.memory_space<semaphore_mem>>)
      %dma_wait3A_276 = arith.constant 16384 : i32
      %dma_wait3A_277 = tpu.memref_slice %arg3[%dma_wait3A_276] : memref<65536xi32, #tpu.memory_space<hbm>> -> memref<8192xi32, #tpu.memory_space<hbm>>
      %dma_wait3A_278 = arith.constant 16384 : i32
      %dma_wait3A_279 = tpu.memref_slice %arg3[%dma_wait3A_278] : memref<65536xi32, #tpu.memory_space<hbm>> -> memref<8192xi32, #tpu.memory_space<hbm>>
      tpu.wait_dma2 semaphore(%run_scoped3A : memref<!tpu.dma_semaphore, #tpu.memory_space<semaphore_mem>>) src(%dma_wait3A_279 : memref<8192xi32, #tpu.memory_space<hbm>>) dst(%arg9 : memref<8192xi32, #tpu.memory_space<vmem>>)
      tpu.yield
    }) : () -> ()
    %dma_wait3A = tpu.memref_slice %arg6[%mul3A_14] : memref<4194304xf32, #tpu.memory_space<hbm>> -> memref<8192xf32, #tpu.memory_space<hbm>>
    %dma_wait3A_28 = tpu.memref_slice %arg6[%mul3A_14] : memref<4194304xf32, #tpu.memory_space<hbm>> -> memref<8192xf32, #tpu.memory_space<hbm>>
    tpu.wait_dma2 semaphore(%arg15 : memref<!tpu.dma_semaphore, #tpu.memory_space<semaphore_mem>>) src(%arg10 : memref<8192xf32, #tpu.memory_space<vmem>>) dst(%dma_wait3A_28 : memref<8192xf32, #tpu.memory_space<hbm>>)
    %scan3A_29 = arith.constant 0 : i32
    %scan3A_30 = arith.constant 0 : i32
    %scan3A_31 = arith.constant 512 : i32
    %scan3A_32 = arith.addi %scan3A_30, %scan3A_31 : i32
    %scan3A_33 = arith.constant 1 : i32
    scf.for %scan3A_272 = %scan3A_30 to %scan3A_32 step %scan3A_33  : i32 {
      %mul3A_273 = arith.constant 16 : i32
      %mul3A_274 = arith.muli %scan3A_272, %mul3A_273 : i32
      %get3A_275 = arith.index_cast %mul3A_274 : i32 to index
      %get3A_276 = tpu.vector_load %arg9[%get3A_275] {strides = array<i32>} : memref<8192xi32, #tpu.memory_space<vmem>>, vector<16xi32>,
      %gather3A_277 = tpu.vector_load_idx %arg8[%get3A_276] : memref<100000xf32, #tpu.memory_space<vmem>>[vector<16xi32>], vector<16xf32>,
      %mul3A_278 = arith.constant 16 : i32
      %mul3A_279 = arith.muli %scan3A_272, %mul3A_278 : i32
      %swap3A_280 = arith.index_cast %mul3A_279 : i32 to index
      %swap3A_281 = tpu.vector_load %arg10[%swap3A_280] {strides = array<i32>} : memref<8192xf32, #tpu.memory_space<vmem>>, vector<16xf32>,
      tpu.vector_store %arg10[%swap3A_280], %gather3A_277 {strides = array<i32>} : memref<8192xf32, #tpu.memory_space<vmem>>, vector<16xf32>,
    }
    %scan3A_34 = arith.constant 512 : i32
    %add3A_35 = arith.constant 128 : i32
    %add3A_36 = arith.addi %add3A_35, %add3A_5 : i32
    %mul3A_37 = arith.constant 8192 : i32
    %mul3A_38 = arith.muli %add3A_36, %mul3A_37 : i32
    %dma_start3A_39 = tpu.memref_slice %arg6[%mul3A_38] : memref<4194304xf32, #tpu.memory_space<hbm>> -> memref<8192xf32, #tpu.memory_space<hbm>>
    %dma_start3A_40 = tpu.memref_slice %arg6[%mul3A_38] : memref<4194304xf32, #tpu.memory_space<hbm>> -> memref<8192xf32, #tpu.memory_space<hbm>>
    tpu.enqueue_dma source(%arg10 : memref<8192xf32, #tpu.memory_space<vmem>>) target(%dma_start3A_40 : memref<8192xf32, #tpu.memory_space<hbm>>) target_semaphore(%arg15 : memref<!tpu.dma_semaphore, #tpu.memory_space<semaphore_mem>>)
    "tpu.region"() ({
      %run_scoped3A = tpu.sem_alloc : memref<!tpu.dma_semaphore, #tpu.memory_space<semaphore_mem>>
      %dma_start3A_272 = arith.constant 24576 : i32
      %dma_start3A_273 = tpu.memref_slice %arg3[%dma_start3A_272] : memref<65536xi32, #tpu.memory_space<hbm>> -> memref<8192xi32, #tpu.memory_space<hbm>>
      %dma_start3A_274 = arith.constant 24576 : i32
      %dma_start3A_275 = tpu.memref_slice %arg3[%dma_start3A_274] : memref<65536xi32, #tpu.memory_space<hbm>> -> memref<8192xi32, #tpu.memory_space<hbm>>
      tpu.enqueue_dma source(%dma_start3A_275 : memref<8192xi32, #tpu.memory_space<hbm>>) target(%arg9 : memref<8192xi32, #tpu.memory_space<vmem>>) target_semaphore(%run_scoped3A : memref<!tpu.dma_semaphore, #tpu.memory_space<semaphore_mem>>)
      %dma_wait3A_276 = arith.constant 24576 : i32
      %dma_wait3A_277 = tpu.memref_slice %arg3[%dma_wait3A_276] : memref<65536xi32, #tpu.memory_space<hbm>> -> memref<8192xi32, #tpu.memory_space<hbm>>
      %dma_wait3A_278 = arith.constant 24576 : i32
      %dma_wait3A_279 = tpu.memref_slice %arg3[%dma_wait3A_278] : memref<65536xi32, #tpu.memory_space<hbm>> -> memref<8192xi32, #tpu.memory_space<hbm>>
      tpu.wait_dma2 semaphore(%run_scoped3A : memref<!tpu.dma_semaphore, #tpu.memory_space<semaphore_mem>>) src(%dma_wait3A_279 : memref<8192xi32, #tpu.memory_space<hbm>>) dst(%arg9 : memref<8192xi32, #tpu.memory_space<vmem>>)
      tpu.yield
    }) : () -> ()
    %dma_wait3A_41 = tpu.memref_slice %arg6[%mul3A_25] : memref<4194304xf32, #tpu.memory_space<hbm>> -> memref<8192xf32, #tpu.memory_space<hbm>>
    %dma_wait3A_42 = tpu.memref_slice %arg6[%mul3A_25] : memref<4194304xf32, #tpu.memory_space<hbm>> -> memref<8192xf32, #tpu.memory_space<hbm>>
    tpu.wait_dma2 semaphore(%arg15 : memref<!tpu.dma_semaphore, #tpu.memory_space<semaphore_mem>>) src(%arg11 : memref<8192xf32, #tpu.memory_space<vmem>>) dst(%dma_wait3A_42 : memref<8192xf32, #tpu.memory_space<hbm>>)
    %scan3A_43 = arith.constant 0 : i32
    %scan3A_44 = arith.constant 0 : i32
    %scan3A_45 = arith.constant 512 : i32
    %scan3A_46 = arith.addi %scan3A_44, %scan3A_45 : i32
    %scan3A_47 = arith.constant 1 : i32
    scf.for %scan3A_272 = %scan3A_44 to %scan3A_46 step %scan3A_47  : i32 {
      %mul3A_273 = arith.constant 16 : i32
      %mul3A_274 = arith.muli %scan3A_272, %mul3A_273 : i32
      %get3A_275 = arith.index_cast %mul3A_274 : i32 to index
      %get3A_276 = tpu.vector_load %arg9[%get3A_275] {strides = array<i32>} : memref<8192xi32, #tpu.memory_space<vmem>>, vector<16xi32>,
      %gather3A_277 = tpu.vector_load_idx %arg8[%get3A_276] : memref<100000xf32, #tpu.memory_space<vmem>>[vector<16xi32>], vector<16xf32>,
      %mul3A_278 = arith.constant 16 : i32
      %mul3A_279 = arith.muli %scan3A_272, %mul3A_278 : i32
      %swap3A_280 = arith.index_cast %mul3A_279 : i32 to index
      %swap3A_281 = tpu.vector_load %arg11[%swap3A_280] {strides = array<i32>} : memref<8192xf32, #tpu.memory_space<vmem>>, vector<16xf32>,
      tpu.vector_store %arg11[%swap3A_280], %gather3A_277 {strides = array<i32>} : memref<8192xf32, #tpu.memory_space<vmem>>, vector<16xf32>,
    }
    %scan3A_48 = arith.constant 512 : i32
    %add3A_49 = arith.constant 192 : i32
    %add3A_50 = arith.addi %add3A_49, %add3A_5 : i32
    %mul3A_51 = arith.constant 8192 : i32
    %mul3A_52 = arith.muli %add3A_50, %mul3A_51 : i32
    %dma_start3A_53 = tpu.memref_slice %arg6[%mul3A_52] : memref<4194304xf32, #tpu.memory_space<hbm>> -> memref<8192xf32, #tpu.memory_space<hbm>>
    %dma_start3A_54 = tpu.memref_slice %arg6[%mul3A_52] : memref<4194304xf32, #tpu.memory_space<hbm>> -> memref<8192xf32, #tpu.memory_space<hbm>>
    tpu.enqueue_dma source(%arg11 : memref<8192xf32, #tpu.memory_space<vmem>>) target(%dma_start3A_54 : memref<8192xf32, #tpu.memory_space<hbm>>) target_semaphore(%arg15 : memref<!tpu.dma_semaphore, #tpu.memory_space<semaphore_mem>>)
    "tpu.region"() ({
      %run_scoped3A = tpu.sem_alloc : memref<!tpu.dma_semaphore, #tpu.memory_space<semaphore_mem>>
      %dma_start3A_272 = arith.constant 32768 : i32
      %dma_start3A_273 = tpu.memref_slice %arg3[%dma_start3A_272] : memref<65536xi32, #tpu.memory_space<hbm>> -> memref<8192xi32, #tpu.memory_space<hbm>>
      %dma_start3A_274 = arith.constant 32768 : i32
      %dma_start3A_275 = tpu.memref_slice %arg3[%dma_start3A_274] : memref<65536xi32, #tpu.memory_space<hbm>> -> memref<8192xi32, #tpu.memory_space<hbm>>
      tpu.enqueue_dma source(%dma_start3A_275 : memref<8192xi32, #tpu.memory_space<hbm>>) target(%arg9 : memref<8192xi32, #tpu.memory_space<vmem>>) target_semaphore(%run_scoped3A : memref<!tpu.dma_semaphore, #tpu.memory_space<semaphore_mem>>)
      %dma_wait3A_276 = arith.constant 32768 : i32
      %dma_wait3A_277 = tpu.memref_slice %arg3[%dma_wait3A_276] : memref<65536xi32, #tpu.memory_space<hbm>> -> memref<8192xi32, #tpu.memory_space<hbm>>
      %dma_wait3A_278 = arith.constant 32768 : i32
      %dma_wait3A_279 = tpu.memref_slice %arg3[%dma_wait3A_278] : memref<65536xi32, #tpu.memory_space<hbm>> -> memref<8192xi32, #tpu.memory_space<hbm>>
      tpu.wait_dma2 semaphore(%run_scoped3A : memref<!tpu.dma_semaphore, #tpu.memory_space<semaphore_mem>>) src(%dma_wait3A_279 : memref<8192xi32, #tpu.memory_space<hbm>>) dst(%arg9 : memref<8192xi32, #tpu.memory_space<vmem>>)
      tpu.yield
    }) : () -> ()
    %dma_wait3A_55 = tpu.memref_slice %arg6[%mul3A_38] : memref<4194304xf32, #tpu.memory_space<hbm>> -> memref<8192xf32, #tpu.memory_space<hbm>>
    %dma_wait3A_56 = tpu.memref_slice %arg6[%mul3A_38] : memref<4194304xf32, #tpu.memory_space<hbm>> -> memref<8192xf32, #tpu.memory_space<hbm>>
    tpu.wait_dma2 semaphore(%arg15 : memref<!tpu.dma_semaphore, #tpu.memory_space<semaphore_mem>>) src(%arg10 : memref<8192xf32, #tpu.memory_space<vmem>>) dst(%dma_wait3A_56 : memref<8192xf32, #tpu.memory_space<hbm>>)
    %scan3A_57 = arith.constant 0 : i32
    %scan3A_58 = arith.constant 0 : i32
    %scan3A_59 = arith.constant 512 : i32
    %scan3A_60 = arith.addi %scan3A_58, %scan3A_59 : i32
    %scan3A_61 = arith.constant 1 : i32
    scf.for %scan3A_272 = %scan3A_58 to %scan3A_60 step %scan3A_61  : i32 {
      %mul3A_273 = arith.constant 16 : i32
      %mul3A_274 = arith.muli %scan3A_272, %mul3A_273 : i32
      %get3A_275 = arith.index_cast %mul3A_274 : i32 to index
      %get3A_276 = tpu.vector_load %arg9[%get3A_275] {strides = array<i32>} : memref<8192xi32, #tpu.memory_space<vmem>>, vector<16xi32>,
      %gather3A_277 = tpu.vector_load_idx %arg8[%get3A_276] : memref<100000xf32, #tpu.memory_space<vmem>>[vector<16xi32>], vector<16xf32>,
      %mul3A_278 = arith.constant 16 : i32
      %mul3A_279 = arith.muli %scan3A_272, %mul3A_278 : i32
      %swap3A_280 = arith.index_cast %mul3A_279 : i32 to index
      %swap3A_281 = tpu.vector_load %arg10[%swap3A_280] {strides = array<i32>} : memref<8192xf32, #tpu.memory_space<vmem>>, vector<16xf32>,
      tpu.vector_store %arg10[%swap3A_280], %gather3A_277 {strides = array<i32>} : memref<8192xf32, #tpu.memory_space<vmem>>, vector<16xf32>,
    }
    %scan3A_62 = arith.constant 512 : i32
    %add3A_63 = arith.constant 256 : i32
    %add3A_64 = arith.addi %add3A_63, %add3A_5 : i32
    %mul3A_65 = arith.constant 8192 : i32
    %mul3A_66 = arith.muli %add3A_64, %mul3A_65 : i32
    %dma_start3A_67 = tpu.memref_slice %arg6[%mul3A_66] : memref<4194304xf32, #tpu.memory_space<hbm>> -> memref<8192xf32, #tpu.memory_space<hbm>>
    %dma_start3A_68 = tpu.memref_slice %arg6[%mul3A_66] : memref<4194304xf32, #tpu.memory_space<hbm>> -> memref<8192xf32, #tpu.memory_space<hbm>>
    tpu.enqueue_dma source(%arg10 : memref<8192xf32, #tpu.memory_space<vmem>>) target(%dma_start3A_68 : memref<8192xf32, #tpu.memory_space<hbm>>) target_semaphore(%arg15 : memref<!tpu.dma_semaphore, #tpu.memory_space<semaphore_mem>>)
    "tpu.region"() ({
      %run_scoped3A = tpu.sem_alloc : memref<!tpu.dma_semaphore, #tpu.memory_space<semaphore_mem>>
      %dma_start3A_272 = arith.constant 40960 : i32
      %dma_start3A_273 = tpu.memref_slice %arg3[%dma_start3A_272] : memref<65536xi32, #tpu.memory_space<hbm>> -> memref<8192xi32, #tpu.memory_space<hbm>>
      %dma_start3A_274 = arith.constant 40960 : i32
      %dma_start3A_275 = tpu.memref_slice %arg3[%dma_start3A_274] : memref<65536xi32, #tpu.memory_space<hbm>> -> memref<8192xi32, #tpu.memory_space<hbm>>
      tpu.enqueue_dma source(%dma_start3A_275 : memref<8192xi32, #tpu.memory_space<hbm>>) target(%arg9 : memref<8192xi32, #tpu.memory_space<vmem>>) target_semaphore(%run_scoped3A : memref<!tpu.dma_semaphore, #tpu.memory_space<semaphore_mem>>)
      %dma_wait3A_276 = arith.constant 40960 : i32
      %dma_wait3A_277 = tpu.memref_slice %arg3[%dma_wait3A_276] : memref<65536xi32, #tpu.memory_space<hbm>> -> memref<8192xi32, #tpu.memory_space<hbm>>
      %dma_wait3A_278 = arith.constant 40960 : i32
      %dma_wait3A_279 = tpu.memref_slice %arg3[%dma_wait3A_278] : memref<65536xi32, #tpu.memory_space<hbm>> -> memref<8192xi32, #tpu.memory_space<hbm>>
      tpu.wait_dma2 semaphore(%run_scoped3A : memref<!tpu.dma_semaphore, #tpu.memory_space<semaphore_mem>>) src(%dma_wait3A_279 : memref<8192xi32, #tpu.memory_space<hbm>>) dst(%arg9 : memref<8192xi32, #tpu.memory_space<vmem>>)
      tpu.yield
    }) : () -> ()
    %dma_wait3A_69 = tpu.memref_slice %arg6[%mul3A_52] : memref<4194304xf32, #tpu.memory_space<hbm>> -> memref<8192xf32, #tpu.memory_space<hbm>>
    %dma_wait3A_70 = tpu.memref_slice %arg6[%mul3A_52] : memref<4194304xf32, #tpu.memory_space<hbm>> -> memref<8192xf32, #tpu.memory_space<hbm>>
    tpu.wait_dma2 semaphore(%arg15 : memref<!tpu.dma_semaphore, #tpu.memory_space<semaphore_mem>>) src(%arg11 : memref<8192xf32, #tpu.memory_space<vmem>>) dst(%dma_wait3A_70 : memref<8192xf32, #tpu.memory_space<hbm>>)
    %scan3A_71 = arith.constant 0 : i32
    %scan3A_72 = arith.constant 0 : i32
    %scan3A_73 = arith.constant 512 : i32
    %scan3A_74 = arith.addi %scan3A_72, %scan3A_73 : i32
    %scan3A_75 = arith.constant 1 : i32
    scf.for %scan3A_272 = %scan3A_72 to %scan3A_74 step %scan3A_75  : i32 {
      %mul3A_273 = arith.constant 16 : i32
      %mul3A_274 = arith.muli %scan3A_272, %mul3A_273 : i32
      %get3A_275 = arith.index_cast %mul3A_274 : i32 to index
      %get3A_276 = tpu.vector_load %arg9[%get3A_275] {strides = array<i32>} : memref<8192xi32, #tpu.memory_space<vmem>>, vector<16xi32>,
      %gather3A_277 = tpu.vector_load_idx %arg8[%get3A_276] : memref<100000xf32, #tpu.memory_space<vmem>>[vector<16xi32>], vector<16xf32>,
      %mul3A_278 = arith.constant 16 : i32
      %mul3A_279 = arith.muli %scan3A_272, %mul3A_278 : i32
      %swap3A_280 = arith.index_cast %mul3A_279 : i32 to index
      %swap3A_281 = tpu.vector_load %arg11[%swap3A_280] {strides = array<i32>} : memref<8192xf32, #tpu.memory_space<vmem>>, vector<16xf32>,
      tpu.vector_store %arg11[%swap3A_280], %gather3A_277 {strides = array<i32>} : memref<8192xf32, #tpu.memory_space<vmem>>, vector<16xf32>,
    }
    %scan3A_76 = arith.constant 512 : i32
    %add3A_77 = arith.constant 320 : i32
    %add3A_78 = arith.addi %add3A_77, %add3A_5 : i32
    %mul3A_79 = arith.constant 8192 : i32
    %mul3A_80 = arith.muli %add3A_78, %mul3A_79 : i32
    %dma_start3A_81 = tpu.memref_slice %arg6[%mul3A_80] : memref<4194304xf32, #tpu.memory_space<hbm>> -> memref<8192xf32, #tpu.memory_space<hbm>>
    %dma_start3A_82 = tpu.memref_slice %arg6[%mul3A_80] : memref<4194304xf32, #tpu.memory_space<hbm>> -> memref<8192xf32, #tpu.memory_space<hbm>>
    tpu.enqueue_dma source(%arg11 : memref<8192xf32, #tpu.memory_space<vmem>>) target(%dma_start3A_82 : memref<8192xf32, #tpu.memory_space<hbm>>) target_semaphore(%arg15 : memref<!tpu.dma_semaphore, #tpu.memory_space<semaphore_mem>>)
    "tpu.region"() ({
      %run_scoped3A = tpu.sem_alloc : memref<!tpu.dma_semaphore, #tpu.memory_space<semaphore_mem>>
      %dma_start3A_272 = arith.constant 49152 : i32
      %dma_start3A_273 = tpu.memref_slice %arg3[%dma_start3A_272] : memref<65536xi32, #tpu.memory_space<hbm>> -> memref<8192xi32, #tpu.memory_space<hbm>>
      %dma_start3A_274 = arith.constant 49152 : i32
      %dma_start3A_275 = tpu.memref_slice %arg3[%dma_start3A_274] : memref<65536xi32, #tpu.memory_space<hbm>> -> memref<8192xi32, #tpu.memory_space<hbm>>
      tpu.enqueue_dma source(%dma_start3A_275 : memref<8192xi32, #tpu.memory_space<hbm>>) target(%arg9 : memref<8192xi32, #tpu.memory_space<vmem>>) target_semaphore(%run_scoped3A : memref<!tpu.dma_semaphore, #tpu.memory_space<semaphore_mem>>)
      %dma_wait3A_276 = arith.constant 49152 : i32
      %dma_wait3A_277 = tpu.memref_slice %arg3[%dma_wait3A_276] : memref<65536xi32, #tpu.memory_space<hbm>> -> memref<8192xi32, #tpu.memory_space<hbm>>
      %dma_wait3A_278 = arith.constant 49152 : i32
      %dma_wait3A_279 = tpu.memref_slice %arg3[%dma_wait3A_278] : memref<65536xi32, #tpu.memory_space<hbm>> -> memref<8192xi32, #tpu.memory_space<hbm>>
      tpu.wait_dma2 semaphore(%run_scoped3A : memref<!tpu.dma_semaphore, #tpu.memory_space<semaphore_mem>>) src(%dma_wait3A_279 : memref<8192xi32, #tpu.memory_space<hbm>>) dst(%arg9 : memref<8192xi32, #tpu.memory_space<vmem>>)
      tpu.yield
    }) : () -> ()
    %dma_wait3A_83 = tpu.memref_slice %arg6[%mul3A_66] : memref<4194304xf32, #tpu.memory_space<hbm>> -> memref<8192xf32, #tpu.memory_space<hbm>>
    %dma_wait3A_84 = tpu.memref_slice %arg6[%mul3A_66] : memref<4194304xf32, #tpu.memory_space<hbm>> -> memref<8192xf32, #tpu.memory_space<hbm>>
    tpu.wait_dma2 semaphore(%arg15 : memref<!tpu.dma_semaphore, #tpu.memory_space<semaphore_mem>>) src(%arg10 : memref<8192xf32, #tpu.memory_space<vmem>>) dst(%dma_wait3A_84 : memref<8192xf32, #tpu.memory_space<hbm>>)
    %scan3A_85 = arith.constant 0 : i32
    %scan3A_86 = arith.constant 0 : i32
    %scan3A_87 = arith.constant 512 : i32
    %scan3A_88 = arith.addi %scan3A_86, %scan3A_87 : i32
    %scan3A_89 = arith.constant 1 : i32
    scf.for %scan3A_272 = %scan3A_86 to %scan3A_88 step %scan3A_89  : i32 {
      %mul3A_273 = arith.constant 16 : i32
      %mul3A_274 = arith.muli %scan3A_272, %mul3A_273 : i32
      %get3A_275 = arith.index_cast %mul3A_274 : i32 to index
      %get3A_276 = tpu.vector_load %arg9[%get3A_275] {strides = array<i32>} : memref<8192xi32, #tpu.memory_space<vmem>>, vector<16xi32>,
      %gather3A_277 = tpu.vector_load_idx %arg8[%get3A_276] : memref<100000xf32, #tpu.memory_space<vmem>>[vector<16xi32>], vector<16xf32>,
      %mul3A_278 = arith.constant 16 : i32
      %mul3A_279 = arith.muli %scan3A_272, %mul3A_278 : i32
      %swap3A_280 = arith.index_cast %mul3A_279 : i32 to index
      %swap3A_281 = tpu.vector_load %arg10[%swap3A_280] {strides = array<i32>} : memref<8192xf32, #tpu.memory_space<vmem>>, vector<16xf32>,
      tpu.vector_store %arg10[%swap3A_280], %gather3A_277 {strides = array<i32>} : memref<8192xf32, #tpu.memory_space<vmem>>, vector<16xf32>,
    }
    %scan3A_90 = arith.constant 512 : i32
    %add3A_91 = arith.constant 384 : i32
    %add3A_92 = arith.addi %add3A_91, %add3A_5 : i32
    %mul3A_93 = arith.constant 8192 : i32
    %mul3A_94 = arith.muli %add3A_92, %mul3A_93 : i32
    %dma_start3A_95 = tpu.memref_slice %arg6[%mul3A_94] : memref<4194304xf32, #tpu.memory_space<hbm>> -> memref<8192xf32, #tpu.memory_space<hbm>>
    %dma_start3A_96 = tpu.memref_slice %arg6[%mul3A_94] : memref<4194304xf32, #tpu.memory_space<hbm>> -> memref<8192xf32, #tpu.memory_space<hbm>>
    tpu.enqueue_dma source(%arg10 : memref<8192xf32, #tpu.memory_space<vmem>>) target(%dma_start3A_96 : memref<8192xf32, #tpu.memory_space<hbm>>) target_semaphore(%arg15 : memref<!tpu.dma_semaphore, #tpu.memory_space<semaphore_mem>>)
    "tpu.region"() ({
      %run_scoped3A = tpu.sem_alloc : memref<!tpu.dma_semaphore, #tpu.memory_space<semaphore_mem>>
      %dma_start3A_272 = arith.constant 57344 : i32
      %dma_start3A_273 = tpu.memref_slice %arg3[%dma_start3A_272] : memref<65536xi32, #tpu.memory_space<hbm>> -> memref<8192xi32, #tpu.memory_space<hbm>>
      %dma_start3A_274 = arith.constant 57344 : i32
      %dma_start3A_275 = tpu.memref_slice %arg3[%dma_start3A_274] : memref<65536xi32, #tpu.memory_space<hbm>> -> memref<8192xi32, #tpu.memory_space<hbm>>
      tpu.enqueue_dma source(%dma_start3A_275 : memref<8192xi32, #tpu.memory_space<hbm>>) target(%arg9 : memref<8192xi32, #tpu.memory_space<vmem>>) target_semaphore(%run_scoped3A : memref<!tpu.dma_semaphore, #tpu.memory_space<semaphore_mem>>)
      %dma_wait3A_276 = arith.constant 57344 : i32
      %dma_wait3A_277 = tpu.memref_slice %arg3[%dma_wait3A_276] : memref<65536xi32, #tpu.memory_space<hbm>> -> memref<8192xi32, #tpu.memory_space<hbm>>
      %dma_wait3A_278 = arith.constant 57344 : i32
      %dma_wait3A_279 = tpu.memref_slice %arg3[%dma_wait3A_278] : memref<65536xi32, #tpu.memory_space<hbm>> -> memref<8192xi32, #tpu.memory_space<hbm>>
      tpu.wait_dma2 semaphore(%run_scoped3A : memref<!tpu.dma_semaphore, #tpu.memory_space<semaphore_mem>>) src(%dma_wait3A_279 : memref<8192xi32, #tpu.memory_space<hbm>>) dst(%arg9 : memref<8192xi32, #tpu.memory_space<vmem>>)
      tpu.yield
    }) : () -> ()
    %dma_wait3A_97 = tpu.memref_slice %arg6[%mul3A_80] : memref<4194304xf32, #tpu.memory_space<hbm>> -> memref<8192xf32, #tpu.memory_space<hbm>>
    %dma_wait3A_98 = tpu.memref_slice %arg6[%mul3A_80] : memref<4194304xf32, #tpu.memory_space<hbm>> -> memref<8192xf32, #tpu.memory_space<hbm>>
    tpu.wait_dma2 semaphore(%arg15 : memref<!tpu.dma_semaphore, #tpu.memory_space<semaphore_mem>>) src(%arg11 : memref<8192xf32, #tpu.memory_space<vmem>>) dst(%dma_wait3A_98 : memref<8192xf32, #tpu.memory_space<hbm>>)
    %scan3A_99 = arith.constant 0 : i32
    %scan3A_100 = arith.constant 0 : i32
    %scan3A_101 = arith.constant 512 : i32
    %scan3A_102 = arith.addi %scan3A_100, %scan3A_101 : i32
    %scan3A_103 = arith.constant 1 : i32
    scf.for %scan3A_272 = %scan3A_100 to %scan3A_102 step %scan3A_103  : i32 {
      %mul3A_273 = arith.constant 16 : i32
      %mul3A_274 = arith.muli %scan3A_272, %mul3A_273 : i32
      %get3A_275 = arith.index_cast %mul3A_274 : i32 to index
      %get3A_276 = tpu.vector_load %arg9[%get3A_275] {strides = array<i32>} : memref<8192xi32, #tpu.memory_space<vmem>>, vector<16xi32>,
      %gather3A_277 = tpu.vector_load_idx %arg8[%get3A_276] : memref<100000xf32, #tpu.memory_space<vmem>>[vector<16xi32>], vector<16xf32>,
      %mul3A_278 = arith.constant 16 : i32
      %mul3A_279 = arith.muli %scan3A_272, %mul3A_278 : i32
      %swap3A_280 = arith.index_cast %mul3A_279 : i32 to index
      %swap3A_281 = tpu.vector_load %arg11[%swap3A_280] {strides = array<i32>} : memref<8192xf32, #tpu.memory_space<vmem>>, vector<16xf32>,
      tpu.vector_store %arg11[%swap3A_280], %gather3A_277 {strides = array<i32>} : memref<8192xf32, #tpu.memory_space<vmem>>, vector<16xf32>,
    }
    %scan3A_104 = arith.constant 512 : i32
    %add3A_105 = arith.constant 448 : i32
    %add3A_106 = arith.addi %add3A_105, %add3A_5 : i32
    %mul3A_107 = arith.constant 8192 : i32
    %mul3A_108 = arith.muli %add3A_106, %mul3A_107 : i32
    %dma_start3A_109 = tpu.memref_slice %arg6[%mul3A_108] : memref<4194304xf32, #tpu.memory_space<hbm>> -> memref<8192xf32, #tpu.memory_space<hbm>>
    %dma_start3A_110 = tpu.memref_slice %arg6[%mul3A_108] : memref<4194304xf32, #tpu.memory_space<hbm>> -> memref<8192xf32, #tpu.memory_space<hbm>>
    tpu.enqueue_dma source(%arg11 : memref<8192xf32, #tpu.memory_space<vmem>>) target(%dma_start3A_110 : memref<8192xf32, #tpu.memory_space<hbm>>) target_semaphore(%arg15 : memref<!tpu.dma_semaphore, #tpu.memory_space<semaphore_mem>>)
    %dma_wait3A_111 = tpu.memref_slice %arg6[%mul3A_94] : memref<4194304xf32, #tpu.memory_space<hbm>> -> memref<8192xf32, #tpu.memory_space<hbm>>
    %dma_wait3A_112 = tpu.memref_slice %arg6[%mul3A_94] : memref<4194304xf32, #tpu.memory_space<hbm>> -> memref<8192xf32, #tpu.memory_space<hbm>>
    tpu.wait_dma2 semaphore(%arg15 : memref<!tpu.dma_semaphore, #tpu.memory_space<semaphore_mem>>) src(%arg10 : memref<8192xf32, #tpu.memory_space<vmem>>) dst(%dma_wait3A_112 : memref<8192xf32, #tpu.memory_space<hbm>>)
    %dma_wait3A_113 = tpu.memref_slice %arg6[%mul3A_108] : memref<4194304xf32, #tpu.memory_space<hbm>> -> memref<8192xf32, #tpu.memory_space<hbm>>
    %dma_wait3A_114 = tpu.memref_slice %arg6[%mul3A_108] : memref<4194304xf32, #tpu.memory_space<hbm>> -> memref<8192xf32, #tpu.memory_space<hbm>>
    tpu.wait_dma2 semaphore(%arg15 : memref<!tpu.dma_semaphore, #tpu.memory_space<semaphore_mem>>) src(%arg11 : memref<8192xf32, #tpu.memory_space<vmem>>) dst(%dma_wait3A_114 : memref<8192xf32, #tpu.memory_space<hbm>>)
    "tpu.region"() ({
      %run_scoped3A = tpu.sem_alloc : memref<!tpu.dma_semaphore, #tpu.memory_space<semaphore_mem>>
      %dma_start3A_272 = arith.constant 0 : i32
      %dma_start3A_273 = tpu.memref_slice %arg4[%add3A_5, %dma_start3A_272] : memref<64x100000xf32, #tpu.memory_space<hbm>> -> memref<1x100000xf32, #tpu.memory_space<hbm>>
      %dma_start3A_274 = tpu.memref_squeeze %dma_start3A_273 : memref<1x100000xf32, #tpu.memory_space<hbm>> -> memref<100000xf32, #tpu.memory_space<hbm>>
      %dma_start3A_275 = arith.constant 0 : i32
      %dma_start3A_276 = tpu.memref_slice %arg4[%add3A_5, %dma_start3A_275] : memref<64x100000xf32, #tpu.memory_space<hbm>> -> memref<1x100000xf32, #tpu.memory_space<hbm>>
      %dma_start3A_277 = tpu.memref_squeeze %dma_start3A_276 : memref<1x100000xf32, #tpu.memory_space<hbm>> -> memref<100000xf32, #tpu.memory_space<hbm>>
      tpu.enqueue_dma source(%dma_start3A_277 : memref<100000xf32, #tpu.memory_space<hbm>>) target(%arg8 : memref<100000xf32, #tpu.memory_space<vmem>>) target_semaphore(%run_scoped3A : memref<!tpu.dma_semaphore, #tpu.memory_space<semaphore_mem>>)
      %dma_wait3A_278 = arith.constant 0 : i32
      %dma_wait3A_279 = tpu.memref_slice %arg4[%add3A_5, %dma_wait3A_278] : memref<64x100000xf32, #tpu.memory_space<hbm>> -> memref<1x100000xf32, #tpu.memory_space<hbm>>
      %dma_wait3A_280 = tpu.memref_squeeze %dma_wait3A_279 : memref<1x100000xf32, #tpu.memory_space<hbm>> -> memref<100000xf32, #tpu.memory_space<hbm>>
      %dma_wait3A_281 = arith.constant 0 : i32
      %dma_wait3A_282 = tpu.memref_slice %arg4[%add3A_5, %dma_wait3A_281] : memref<64x100000xf32, #tpu.memory_space<hbm>> -> memref<1x100000xf32, #tpu.memory_space<hbm>>
      %dma_wait3A_283 = tpu.memref_squeeze %dma_wait3A_282 : memref<1x100000xf32, #tpu.memory_space<hbm>> -> memref<100000xf32, #tpu.memory_space<hbm>>
      tpu.wait_dma2 semaphore(%run_scoped3A : memref<!tpu.dma_semaphore, #tpu.memory_space<semaphore_mem>>) src(%dma_wait3A_283 : memref<100000xf32, #tpu.memory_space<hbm>>) dst(%arg8 : memref<100000xf32, #tpu.memory_space<vmem>>)
      tpu.yield
    }) : () -> ()
    %get3A = arith.constant 0 : index
    %get3A_115 = tpu.vector_load %arg12[%get3A] {strides = array<i32>} : memref<64xi32, #tpu.memory_space<vmem>>, vector<16xi32>,
    %gather3A = tpu.vector_load_idx %arg8[%get3A_115] : memref<100000xf32, #tpu.memory_space<vmem>>[vector<16xi32>], vector<16xf32>,
    %swap3A = arith.constant 0 : index
    %swap3A_116 = tpu.vector_load %arg13[%swap3A] {strides = array<i32>} : memref<64xf32, #tpu.memory_space<vmem>>, vector<16xf32>,
    tpu.vector_store %arg13[%swap3A], %gather3A {strides = array<i32>} : memref<64xf32, #tpu.memory_space<vmem>>, vector<16xf32>,
    %get3A_117 = arith.constant 16 : index
    %get3A_118 = tpu.vector_load %arg12[%get3A_117] {strides = array<i32>} : memref<64xi32, #tpu.memory_space<vmem>>, vector<16xi32>,
    %gather3A_119 = tpu.vector_load_idx %arg8[%get3A_118] : memref<100000xf32, #tpu.memory_space<vmem>>[vector<16xi32>], vector<16xf32>,
    %swap3A_120 = arith.constant 16 : index
    %swap3A_121 = tpu.vector_load %arg13[%swap3A_120] {strides = array<i32>} : memref<64xf32, #tpu.memory_space<vmem>>, vector<16xf32>,
    tpu.vector_store %arg13[%swap3A_120], %gather3A_119 {strides = array<i32>} : memref<64xf32, #tpu.memory_space<vmem>>, vector<16xf32>,
    %get3A_122 = arith.constant 32 : index
    %get3A_123 = tpu.vector_load %arg12[%get3A_122] {strides = array<i32>} : memref<64xi32, #tpu.memory_space<vmem>>, vector<16xi32>,
    %gather3A_124 = tpu.vector_load_idx %arg8[%get3A_123] : memref<100000xf32, #tpu.memory_space<vmem>>[vector<16xi32>], vector<16xf32>,
    %swap3A_125 = arith.constant 32 : index
    %swap3A_126 = tpu.vector_load %arg13[%swap3A_125] {strides = array<i32>} : memref<64xf32, #tpu.memory_space<vmem>>, vector<16xf32>,
    tpu.vector_store %arg13[%swap3A_125], %gather3A_124 {strides = array<i32>} : memref<64xf32, #tpu.memory_space<vmem>>, vector<16xf32>,
    %get3A_127 = arith.constant 48 : index
    %get3A_128 = tpu.vector_load %arg12[%get3A_127] {strides = array<i32>} : memref<64xi32, #tpu.memory_space<vmem>>, vector<16xi32>,
    %gather3A_129 = tpu.vector_load_idx %arg8[%get3A_128] : memref<100000xf32, #tpu.memory_space<vmem>>[vector<16xi32>], vector<16xf32>,
    %swap3A_130 = arith.constant 48 : index
    %swap3A_131 = tpu.vector_load %arg13[%swap3A_130] {strides = array<i32>} : memref<64xf32, #tpu.memory_space<vmem>>, vector<16xf32>,
    tpu.vector_store %arg13[%swap3A_130], %gather3A_129 {strides = array<i32>} : memref<64xf32, #tpu.memory_space<vmem>>, vector<16xf32>,
    %mul3A_132 = arith.constant 64 : i32
    %mul3A_133 = arith.muli %add3A_5, %mul3A_132 : i32
    "tpu.region"() ({
      %run_scoped3A = tpu.sem_alloc : memref<!tpu.dma_semaphore, #tpu.memory_space<semaphore_mem>>
      %dma_start3A_272 = tpu.memref_slice %arg7[%mul3A_133] : memref<4096xf32, #tpu.memory_space<hbm>> -> memref<64xf32, #tpu.memory_space<hbm>>
      %dma_start3A_273 = tpu.memref_slice %arg7[%mul3A_133] : memref<4096xf32, #tpu.memory_space<hbm>> -> memref<64xf32, #tpu.memory_space<hbm>>
      tpu.enqueue_dma source(%arg13 : memref<64xf32, #tpu.memory_space<vmem>>) target(%dma_start3A_273 : memref<64xf32, #tpu.memory_space<hbm>>) target_semaphore(%run_scoped3A : memref<!tpu.dma_semaphore, #tpu.memory_space<semaphore_mem>>)
      %dma_wait3A_274 = tpu.memref_slice %arg7[%mul3A_133] : memref<4096xf32, #tpu.memory_space<hbm>> -> memref<64xf32, #tpu.memory_space<hbm>>
      %dma_wait3A_275 = tpu.memref_slice %arg7[%mul3A_133] : memref<4096xf32, #tpu.memory_space<hbm>> -> memref<64xf32, #tpu.memory_space<hbm>>
      tpu.wait_dma2 semaphore(%run_scoped3A : memref<!tpu.dma_semaphore, #tpu.memory_space<semaphore_mem>>) src(%arg13 : memref<64xf32, #tpu.memory_space<vmem>>) dst(%dma_wait3A_275 : memref<64xf32, #tpu.memory_space<hbm>>)
      tpu.yield
    }) : () -> ()
    %mul3A_134 = arith.constant 2 : i32
    %mul3A_135 = arith.muli %add3A, %mul3A_134 : i32
    %add3A_136 = arith.constant 1 : i32
    %add3A_137 = arith.addi %mul3A_135, %add3A_136 : i32
    "tpu.region"() ({
      %run_scoped3A = tpu.sem_alloc : memref<!tpu.dma_semaphore, #tpu.memory_space<semaphore_mem>>
      %dma_start3A_272 = arith.constant 0 : i32
      %dma_start3A_273 = tpu.memref_slice %arg2[%add3A_137, %dma_start3A_272] : memref<64x100000xf32, #tpu.memory_space<hbm>> -> memref<1x100000xf32, #tpu.memory_space<hbm>>
      %dma_start3A_274 = tpu.memref_squeeze %dma_start3A_273 : memref<1x100000xf32, #tpu.memory_space<hbm>> -> memref<100000xf32, #tpu.memory_space<hbm>>
      %dma_start3A_275 = arith.constant 0 : i32
      %dma_start3A_276 = tpu.memref_slice %arg2[%add3A_137, %dma_start3A_275] : memref<64x100000xf32, #tpu.memory_space<hbm>> -> memref<1x100000xf32, #tpu.memory_space<hbm>>
      %dma_start3A_277 = tpu.memref_squeeze %dma_start3A_276 : memref<1x100000xf32, #tpu.memory_space<hbm>> -> memref<100000xf32, #tpu.memory_space<hbm>>
      tpu.enqueue_dma source(%dma_start3A_277 : memref<100000xf32, #tpu.memory_space<hbm>>) target(%arg8 : memref<100000xf32, #tpu.memory_space<vmem>>) target_semaphore(%run_scoped3A : memref<!tpu.dma_semaphore, #tpu.memory_space<semaphore_mem>>)
      %dma_wait3A_278 = arith.constant 0 : i32
      %dma_wait3A_279 = tpu.memref_slice %arg2[%add3A_137, %dma_wait3A_278] : memref<64x100000xf32, #tpu.memory_space<hbm>> -> memref<1x100000xf32, #tpu.memory_space<hbm>>
      %dma_wait3A_280 = tpu.memref_squeeze %dma_wait3A_279 : memref<1x100000xf32, #tpu.memory_space<hbm>> -> memref<100000xf32, #tpu.memory_space<hbm>>
      %dma_wait3A_281 = arith.constant 0 : i32
      %dma_wait3A_282 = tpu.memref_slice %arg2[%add3A_137, %dma_wait3A_281] : memref<64x100000xf32, #tpu.memory_space<hbm>> -> memref<1x100000xf32, #tpu.memory_space<hbm>>
      %dma_wait3A_283 = tpu.memref_squeeze %dma_wait3A_282 : memref<1x100000xf32, #tpu.memory_space<hbm>> -> memref<100000xf32, #tpu.memory_space<hbm>>
      tpu.wait_dma2 semaphore(%run_scoped3A : memref<!tpu.dma_semaphore, #tpu.memory_space<semaphore_mem>>) src(%dma_wait3A_283 : memref<100000xf32, #tpu.memory_space<hbm>>) dst(%arg8 : memref<100000xf32, #tpu.memory_space<vmem>>)
      tpu.yield
    }) : () -> ()
    "tpu.region"() ({
      %run_scoped3A = tpu.sem_alloc : memref<!tpu.dma_semaphore, #tpu.memory_space<semaphore_mem>>
      %dma_start3A_272 = arith.constant 0 : i32
      %dma_start3A_273 = tpu.memref_slice %arg3[%dma_start3A_272] : memref<65536xi32, #tpu.memory_space<hbm>> -> memref<8192xi32, #tpu.memory_space<hbm>>
      %dma_start3A_274 = arith.constant 0 : i32
      %dma_start3A_275 = tpu.memref_slice %arg3[%dma_start3A_274] : memref<65536xi32, #tpu.memory_space<hbm>> -> memref<8192xi32, #tpu.memory_space<hbm>>
      tpu.enqueue_dma source(%dma_start3A_275 : memref<8192xi32, #tpu.memory_space<hbm>>) target(%arg9 : memref<8192xi32, #tpu.memory_space<vmem>>) target_semaphore(%run_scoped3A : memref<!tpu.dma_semaphore, #tpu.memory_space<semaphore_mem>>)
      %dma_wait3A_276 = arith.constant 0 : i32
      %dma_wait3A_277 = tpu.memref_slice %arg3[%dma_wait3A_276] : memref<65536xi32, #tpu.memory_space<hbm>> -> memref<8192xi32, #tpu.memory_space<hbm>>
      %dma_wait3A_278 = arith.constant 0 : i32
      %dma_wait3A_279 = tpu.memref_slice %arg3[%dma_wait3A_278] : memref<65536xi32, #tpu.memory_space<hbm>> -> memref<8192xi32, #tpu.memory_space<hbm>>
      tpu.wait_dma2 semaphore(%run_scoped3A : memref<!tpu.dma_semaphore, #tpu.memory_space<semaphore_mem>>) src(%dma_wait3A_279 : memref<8192xi32, #tpu.memory_space<hbm>>) dst(%arg9 : memref<8192xi32, #tpu.memory_space<vmem>>)
      tpu.yield
    }) : () -> ()
    %scan3A_138 = arith.constant 0 : i32
    %scan3A_139 = arith.constant 0 : i32
    %scan3A_140 = arith.constant 512 : i32
    %scan3A_141 = arith.addi %scan3A_139, %scan3A_140 : i32
    %scan3A_142 = arith.constant 1 : i32
    scf.for %scan3A_272 = %scan3A_139 to %scan3A_141 step %scan3A_142  : i32 {
      %mul3A_273 = arith.constant 16 : i32
      %mul3A_274 = arith.muli %scan3A_272, %mul3A_273 : i32
      %get3A_275 = arith.index_cast %mul3A_274 : i32 to index
      %get3A_276 = tpu.vector_load %arg9[%get3A_275] {strides = array<i32>} : memref<8192xi32, #tpu.memory_space<vmem>>, vector<16xi32>,
      %gather3A_277 = tpu.vector_load_idx %arg8[%get3A_276] : memref<100000xf32, #tpu.memory_space<vmem>>[vector<16xi32>], vector<16xf32>,
      %mul3A_278 = arith.constant 16 : i32
      %mul3A_279 = arith.muli %scan3A_272, %mul3A_278 : i32
      %swap3A_280 = arith.index_cast %mul3A_279 : i32 to index
      %swap3A_281 = tpu.vector_load %arg10[%swap3A_280] {strides = array<i32>} : memref<8192xf32, #tpu.memory_space<vmem>>, vector<16xf32>,
      tpu.vector_store %arg10[%swap3A_280], %gather3A_277 {strides = array<i32>} : memref<8192xf32, #tpu.memory_space<vmem>>, vector<16xf32>,
    }
    %scan3A_143 = arith.constant 512 : i32
    %add3A_144 = arith.constant 0 : i32
    %add3A_145 = arith.addi %add3A_144, %add3A_137 : i32
    %mul3A_146 = arith.constant 8192 : i32
    %mul3A_147 = arith.muli %add3A_145, %mul3A_146 : i32
    %dma_start3A_148 = tpu.memref_slice %arg6[%mul3A_147] : memref<4194304xf32, #tpu.memory_space<hbm>> -> memref<8192xf32, #tpu.memory_space<hbm>>
    %dma_start3A_149 = tpu.memref_slice %arg6[%mul3A_147] : memref<4194304xf32, #tpu.memory_space<hbm>> -> memref<8192xf32, #tpu.memory_space<hbm>>
    tpu.enqueue_dma source(%arg10 : memref<8192xf32, #tpu.memory_space<vmem>>) target(%dma_start3A_149 : memref<8192xf32, #tpu.memory_space<hbm>>) target_semaphore(%arg15 : memref<!tpu.dma_semaphore, #tpu.memory_space<semaphore_mem>>)
    "tpu.region"() ({
      %run_scoped3A = tpu.sem_alloc : memref<!tpu.dma_semaphore, #tpu.memory_space<semaphore_mem>>
      %dma_start3A_272 = arith.constant 8192 : i32
      %dma_start3A_273 = tpu.memref_slice %arg3[%dma_start3A_272] : memref<65536xi32, #tpu.memory_space<hbm>> -> memref<8192xi32, #tpu.memory_space<hbm>>
      %dma_start3A_274 = arith.constant 8192 : i32
      %dma_start3A_275 = tpu.memref_slice %arg3[%dma_start3A_274] : memref<65536xi32, #tpu.memory_space<hbm>> -> memref<8192xi32, #tpu.memory_space<hbm>>
      tpu.enqueue_dma source(%dma_start3A_275 : memref<8192xi32, #tpu.memory_space<hbm>>) target(%arg9 : memref<8192xi32, #tpu.memory_space<vmem>>) target_semaphore(%run_scoped3A : memref<!tpu.dma_semaphore, #tpu.memory_space<semaphore_mem>>)
      %dma_wait3A_276 = arith.constant 8192 : i32
      %dma_wait3A_277 = tpu.memref_slice %arg3[%dma_wait3A_276] : memref<65536xi32, #tpu.memory_space<hbm>> -> memref<8192xi32, #tpu.memory_space<hbm>>
      %dma_wait3A_278 = arith.constant 8192 : i32
      %dma_wait3A_279 = tpu.memref_slice %arg3[%dma_wait3A_278] : memref<65536xi32, #tpu.memory_space<hbm>> -> memref<8192xi32, #tpu.memory_space<hbm>>
      tpu.wait_dma2 semaphore(%run_scoped3A : memref<!tpu.dma_semaphore, #tpu.memory_space<semaphore_mem>>) src(%dma_wait3A_279 : memref<8192xi32, #tpu.memory_space<hbm>>) dst(%arg9 : memref<8192xi32, #tpu.memory_space<vmem>>)
      tpu.yield
    }) : () -> ()
    %scan3A_150 = arith.constant 0 : i32
    %scan3A_151 = arith.constant 0 : i32
    %scan3A_152 = arith.constant 512 : i32
    %scan3A_153 = arith.addi %scan3A_151, %scan3A_152 : i32
    %scan3A_154 = arith.constant 1 : i32
    scf.for %scan3A_272 = %scan3A_151 to %scan3A_153 step %scan3A_154  : i32 {
      %mul3A_273 = arith.constant 16 : i32
      %mul3A_274 = arith.muli %scan3A_272, %mul3A_273 : i32
      %get3A_275 = arith.index_cast %mul3A_274 : i32 to index
      %get3A_276 = tpu.vector_load %arg9[%get3A_275] {strides = array<i32>} : memref<8192xi32, #tpu.memory_space<vmem>>, vector<16xi32>,
      %gather3A_277 = tpu.vector_load_idx %arg8[%get3A_276] : memref<100000xf32, #tpu.memory_space<vmem>>[vector<16xi32>], vector<16xf32>,
      %mul3A_278 = arith.constant 16 : i32
      %mul3A_279 = arith.muli %scan3A_272, %mul3A_278 : i32
      %swap3A_280 = arith.index_cast %mul3A_279 : i32 to index
      %swap3A_281 = tpu.vector_load %arg11[%swap3A_280] {strides = array<i32>} : memref<8192xf32, #tpu.memory_space<vmem>>, vector<16xf32>,
      tpu.vector_store %arg11[%swap3A_280], %gather3A_277 {strides = array<i32>} : memref<8192xf32, #tpu.memory_space<vmem>>, vector<16xf32>,
    }
    %scan3A_155 = arith.constant 512 : i32
    %add3A_156 = arith.constant 64 : i32
    %add3A_157 = arith.addi %add3A_156, %add3A_137 : i32
    %mul3A_158 = arith.constant 8192 : i32
    %mul3A_159 = arith.muli %add3A_157, %mul3A_158 : i32
    %dma_start3A_160 = tpu.memref_slice %arg6[%mul3A_159] : memref<4194304xf32, #tpu.memory_space<hbm>> -> memref<8192xf32, #tpu.memory_space<hbm>>
    %dma_start3A_161 = tpu.memref_slice %arg6[%mul3A_159] : memref<4194304xf32, #tpu.memory_space<hbm>> -> memref<8192xf32, #tpu.memory_space<hbm>>
    tpu.enqueue_dma source(%arg11 : memref<8192xf32, #tpu.memory_space<vmem>>) target(%dma_start3A_161 : memref<8192xf32, #tpu.memory_space<hbm>>) target_semaphore(%arg15 : memref<!tpu.dma_semaphore, #tpu.memory_space<semaphore_mem>>)
    "tpu.region"() ({
      %run_scoped3A = tpu.sem_alloc : memref<!tpu.dma_semaphore, #tpu.memory_space<semaphore_mem>>
      %dma_start3A_272 = arith.constant 16384 : i32
      %dma_start3A_273 = tpu.memref_slice %arg3[%dma_start3A_272] : memref<65536xi32, #tpu.memory_space<hbm>> -> memref<8192xi32, #tpu.memory_space<hbm>>
      %dma_start3A_274 = arith.constant 16384 : i32
      %dma_start3A_275 = tpu.memref_slice %arg3[%dma_start3A_274] : memref<65536xi32, #tpu.memory_space<hbm>> -> memref<8192xi32, #tpu.memory_space<hbm>>
      tpu.enqueue_dma source(%dma_start3A_275 : memref<8192xi32, #tpu.memory_space<hbm>>) target(%arg9 : memref<8192xi32, #tpu.memory_space<vmem>>) target_semaphore(%run_scoped3A : memref<!tpu.dma_semaphore, #tpu.memory_space<semaphore_mem>>)
      %dma_wait3A_276 = arith.constant 16384 : i32
      %dma_wait3A_277 = tpu.memref_slice %arg3[%dma_wait3A_276] : memref<65536xi32, #tpu.memory_space<hbm>> -> memref<8192xi32, #tpu.memory_space<hbm>>
      %dma_wait3A_278 = arith.constant 16384 : i32
      %dma_wait3A_279 = tpu.memref_slice %arg3[%dma_wait3A_278] : memref<65536xi32, #tpu.memory_space<hbm>> -> memref<8192xi32, #tpu.memory_space<hbm>>
      tpu.wait_dma2 semaphore(%run_scoped3A : memref<!tpu.dma_semaphore, #tpu.memory_space<semaphore_mem>>) src(%dma_wait3A_279 : memref<8192xi32, #tpu.memory_space<hbm>>) dst(%arg9 : memref<8192xi32, #tpu.memory_space<vmem>>)
      tpu.yield
    }) : () -> ()
    %dma_wait3A_162 = tpu.memref_slice %arg6[%mul3A_147] : memref<4194304xf32, #tpu.memory_space<hbm>> -> memref<8192xf32, #tpu.memory_space<hbm>>
    %dma_wait3A_163 = tpu.memref_slice %arg6[%mul3A_147] : memref<4194304xf32, #tpu.memory_space<hbm>> -> memref<8192xf32, #tpu.memory_space<hbm>>
    tpu.wait_dma2 semaphore(%arg15 : memref<!tpu.dma_semaphore, #tpu.memory_space<semaphore_mem>>) src(%arg10 : memref<8192xf32, #tpu.memory_space<vmem>>) dst(%dma_wait3A_163 : memref<8192xf32, #tpu.memory_space<hbm>>)
    %scan3A_164 = arith.constant 0 : i32
    %scan3A_165 = arith.constant 0 : i32
    %scan3A_166 = arith.constant 512 : i32
    %scan3A_167 = arith.addi %scan3A_165, %scan3A_166 : i32
    %scan3A_168 = arith.constant 1 : i32
    scf.for %scan3A_272 = %scan3A_165 to %scan3A_167 step %scan3A_168  : i32 {
      %mul3A_273 = arith.constant 16 : i32
      %mul3A_274 = arith.muli %scan3A_272, %mul3A_273 : i32
      %get3A_275 = arith.index_cast %mul3A_274 : i32 to index
      %get3A_276 = tpu.vector_load %arg9[%get3A_275] {strides = array<i32>} : memref<8192xi32, #tpu.memory_space<vmem>>, vector<16xi32>,
      %gather3A_277 = tpu.vector_load_idx %arg8[%get3A_276] : memref<100000xf32, #tpu.memory_space<vmem>>[vector<16xi32>], vector<16xf32>,
      %mul3A_278 = arith.constant 16 : i32
      %mul3A_279 = arith.muli %scan3A_272, %mul3A_278 : i32
      %swap3A_280 = arith.index_cast %mul3A_279 : i32 to index
      %swap3A_281 = tpu.vector_load %arg10[%swap3A_280] {strides = array<i32>} : memref<8192xf32, #tpu.memory_space<vmem>>, vector<16xf32>,
      tpu.vector_store %arg10[%swap3A_280], %gather3A_277 {strides = array<i32>} : memref<8192xf32, #tpu.memory_space<vmem>>, vector<16xf32>,
    }
    %scan3A_169 = arith.constant 512 : i32
    %add3A_170 = arith.constant 128 : i32
    %add3A_171 = arith.addi %add3A_170, %add3A_137 : i32
    %mul3A_172 = arith.constant 8192 : i32
    %mul3A_173 = arith.muli %add3A_171, %mul3A_172 : i32
    %dma_start3A_174 = tpu.memref_slice %arg6[%mul3A_173] : memref<4194304xf32, #tpu.memory_space<hbm>> -> memref<8192xf32, #tpu.memory_space<hbm>>
    %dma_start3A_175 = tpu.memref_slice %arg6[%mul3A_173] : memref<4194304xf32, #tpu.memory_space<hbm>> -> memref<8192xf32, #tpu.memory_space<hbm>>
    tpu.enqueue_dma source(%arg10 : memref<8192xf32, #tpu.memory_space<vmem>>) target(%dma_start3A_175 : memref<8192xf32, #tpu.memory_space<hbm>>) target_semaphore(%arg15 : memref<!tpu.dma_semaphore, #tpu.memory_space<semaphore_mem>>)
    "tpu.region"() ({
      %run_scoped3A = tpu.sem_alloc : memref<!tpu.dma_semaphore, #tpu.memory_space<semaphore_mem>>
      %dma_start3A_272 = arith.constant 24576 : i32
      %dma_start3A_273 = tpu.memref_slice %arg3[%dma_start3A_272] : memref<65536xi32, #tpu.memory_space<hbm>> -> memref<8192xi32, #tpu.memory_space<hbm>>
      %dma_start3A_274 = arith.constant 24576 : i32
      %dma_start3A_275 = tpu.memref_slice %arg3[%dma_start3A_274] : memref<65536xi32, #tpu.memory_space<hbm>> -> memref<8192xi32, #tpu.memory_space<hbm>>
      tpu.enqueue_dma source(%dma_start3A_275 : memref<8192xi32, #tpu.memory_space<hbm>>) target(%arg9 : memref<8192xi32, #tpu.memory_space<vmem>>) target_semaphore(%run_scoped3A : memref<!tpu.dma_semaphore, #tpu.memory_space<semaphore_mem>>)
      %dma_wait3A_276 = arith.constant 24576 : i32
      %dma_wait3A_277 = tpu.memref_slice %arg3[%dma_wait3A_276] : memref<65536xi32, #tpu.memory_space<hbm>> -> memref<8192xi32, #tpu.memory_space<hbm>>
      %dma_wait3A_278 = arith.constant 24576 : i32
      %dma_wait3A_279 = tpu.memref_slice %arg3[%dma_wait3A_278] : memref<65536xi32, #tpu.memory_space<hbm>> -> memref<8192xi32, #tpu.memory_space<hbm>>
      tpu.wait_dma2 semaphore(%run_scoped3A : memref<!tpu.dma_semaphore, #tpu.memory_space<semaphore_mem>>) src(%dma_wait3A_279 : memref<8192xi32, #tpu.memory_space<hbm>>) dst(%arg9 : memref<8192xi32, #tpu.memory_space<vmem>>)
      tpu.yield
    }) : () -> ()
    %dma_wait3A_176 = tpu.memref_slice %arg6[%mul3A_159] : memref<4194304xf32, #tpu.memory_space<hbm>> -> memref<8192xf32, #tpu.memory_space<hbm>>
    %dma_wait3A_177 = tpu.memref_slice %arg6[%mul3A_159] : memref<4194304xf32, #tpu.memory_space<hbm>> -> memref<8192xf32, #tpu.memory_space<hbm>>
    tpu.wait_dma2 semaphore(%arg15 : memref<!tpu.dma_semaphore, #tpu.memory_space<semaphore_mem>>) src(%arg11 : memref<8192xf32, #tpu.memory_space<vmem>>) dst(%dma_wait3A_177 : memref<8192xf32, #tpu.memory_space<hbm>>)
    %scan3A_178 = arith.constant 0 : i32
    %scan3A_179 = arith.constant 0 : i32
    %scan3A_180 = arith.constant 512 : i32
    %scan3A_181 = arith.addi %scan3A_179, %scan3A_180 : i32
    %scan3A_182 = arith.constant 1 : i32
    scf.for %scan3A_272 = %scan3A_179 to %scan3A_181 step %scan3A_182  : i32 {
      %mul3A_273 = arith.constant 16 : i32
      %mul3A_274 = arith.muli %scan3A_272, %mul3A_273 : i32
      %get3A_275 = arith.index_cast %mul3A_274 : i32 to index
      %get3A_276 = tpu.vector_load %arg9[%get3A_275] {strides = array<i32>} : memref<8192xi32, #tpu.memory_space<vmem>>, vector<16xi32>,
      %gather3A_277 = tpu.vector_load_idx %arg8[%get3A_276] : memref<100000xf32, #tpu.memory_space<vmem>>[vector<16xi32>], vector<16xf32>,
      %mul3A_278 = arith.constant 16 : i32
      %mul3A_279 = arith.muli %scan3A_272, %mul3A_278 : i32
      %swap3A_280 = arith.index_cast %mul3A_279 : i32 to index
      %swap3A_281 = tpu.vector_load %arg11[%swap3A_280] {strides = array<i32>} : memref<8192xf32, #tpu.memory_space<vmem>>, vector<16xf32>,
      tpu.vector_store %arg11[%swap3A_280], %gather3A_277 {strides = array<i32>} : memref<8192xf32, #tpu.memory_space<vmem>>, vector<16xf32>,
    }
    %scan3A_183 = arith.constant 512 : i32
    %add3A_184 = arith.constant 192 : i32
    %add3A_185 = arith.addi %add3A_184, %add3A_137 : i32
    %mul3A_186 = arith.constant 8192 : i32
    %mul3A_187 = arith.muli %add3A_185, %mul3A_186 : i32
    %dma_start3A_188 = tpu.memref_slice %arg6[%mul3A_187] : memref<4194304xf32, #tpu.memory_space<hbm>> -> memref<8192xf32, #tpu.memory_space<hbm>>
    %dma_start3A_189 = tpu.memref_slice %arg6[%mul3A_187] : memref<4194304xf32, #tpu.memory_space<hbm>> -> memref<8192xf32, #tpu.memory_space<hbm>>
    tpu.enqueue_dma source(%arg11 : memref<8192xf32, #tpu.memory_space<vmem>>) target(%dma_start3A_189 : memref<8192xf32, #tpu.memory_space<hbm>>) target_semaphore(%arg15 : memref<!tpu.dma_semaphore, #tpu.memory_space<semaphore_mem>>)
    "tpu.region"() ({
      %run_scoped3A = tpu.sem_alloc : memref<!tpu.dma_semaphore, #tpu.memory_space<semaphore_mem>>
      %dma_start3A_272 = arith.constant 32768 : i32
      %dma_start3A_273 = tpu.memref_slice %arg3[%dma_start3A_272] : memref<65536xi32, #tpu.memory_space<hbm>> -> memref<8192xi32, #tpu.memory_space<hbm>>
      %dma_start3A_274 = arith.constant 32768 : i32
      %dma_start3A_275 = tpu.memref_slice %arg3[%dma_start3A_274] : memref<65536xi32, #tpu.memory_space<hbm>> -> memref<8192xi32, #tpu.memory_space<hbm>>
      tpu.enqueue_dma source(%dma_start3A_275 : memref<8192xi32, #tpu.memory_space<hbm>>) target(%arg9 : memref<8192xi32, #tpu.memory_space<vmem>>) target_semaphore(%run_scoped3A : memref<!tpu.dma_semaphore, #tpu.memory_space<semaphore_mem>>)
      %dma_wait3A_276 = arith.constant 32768 : i32
      %dma_wait3A_277 = tpu.memref_slice %arg3[%dma_wait3A_276] : memref<65536xi32, #tpu.memory_space<hbm>> -> memref<8192xi32, #tpu.memory_space<hbm>>
      %dma_wait3A_278 = arith.constant 32768 : i32
      %dma_wait3A_279 = tpu.memref_slice %arg3[%dma_wait3A_278] : memref<65536xi32, #tpu.memory_space<hbm>> -> memref<8192xi32, #tpu.memory_space<hbm>>
      tpu.wait_dma2 semaphore(%run_scoped3A : memref<!tpu.dma_semaphore, #tpu.memory_space<semaphore_mem>>) src(%dma_wait3A_279 : memref<8192xi32, #tpu.memory_space<hbm>>) dst(%arg9 : memref<8192xi32, #tpu.memory_space<vmem>>)
      tpu.yield
    }) : () -> ()
    %dma_wait3A_190 = tpu.memref_slice %arg6[%mul3A_173] : memref<4194304xf32, #tpu.memory_space<hbm>> -> memref<8192xf32, #tpu.memory_space<hbm>>
    %dma_wait3A_191 = tpu.memref_slice %arg6[%mul3A_173] : memref<4194304xf32, #tpu.memory_space<hbm>> -> memref<8192xf32, #tpu.memory_space<hbm>>
    tpu.wait_dma2 semaphore(%arg15 : memref<!tpu.dma_semaphore, #tpu.memory_space<semaphore_mem>>) src(%arg10 : memref<8192xf32, #tpu.memory_space<vmem>>) dst(%dma_wait3A_191 : memref<8192xf32, #tpu.memory_space<hbm>>)
    %scan3A_192 = arith.constant 0 : i32
    %scan3A_193 = arith.constant 0 : i32
    %scan3A_194 = arith.constant 512 : i32
    %scan3A_195 = arith.addi %scan3A_193, %scan3A_194 : i32
    %scan3A_196 = arith.constant 1 : i32
    scf.for %scan3A_272 = %scan3A_193 to %scan3A_195 step %scan3A_196  : i32 {
      %mul3A_273 = arith.constant 16 : i32
      %mul3A_274 = arith.muli %scan3A_272, %mul3A_273 : i32
      %get3A_275 = arith.index_cast %mul3A_274 : i32 to index
      %get3A_276 = tpu.vector_load %arg9[%get3A_275] {strides = array<i32>} : memref<8192xi32, #tpu.memory_space<vmem>>, vector<16xi32>,
      %gather3A_277 = tpu.vector_load_idx %arg8[%get3A_276] : memref<100000xf32, #tpu.memory_space<vmem>>[vector<16xi32>], vector<16xf32>,
      %mul3A_278 = arith.constant 16 : i32
      %mul3A_279 = arith.muli %scan3A_272, %mul3A_278 : i32
      %swap3A_280 = arith.index_cast %mul3A_279 : i32 to index
      %swap3A_281 = tpu.vector_load %arg10[%swap3A_280] {strides = array<i32>} : memref<8192xf32, #tpu.memory_space<vmem>>, vector<16xf32>,
      tpu.vector_store %arg10[%swap3A_280], %gather3A_277 {strides = array<i32>} : memref<8192xf32, #tpu.memory_space<vmem>>, vector<16xf32>,
    }
    %scan3A_197 = arith.constant 512 : i32
    %add3A_198 = arith.constant 256 : i32
    %add3A_199 = arith.addi %add3A_198, %add3A_137 : i32
    %mul3A_200 = arith.constant 8192 : i32
    %mul3A_201 = arith.muli %add3A_199, %mul3A_200 : i32
    %dma_start3A_202 = tpu.memref_slice %arg6[%mul3A_201] : memref<4194304xf32, #tpu.memory_space<hbm>> -> memref<8192xf32, #tpu.memory_space<hbm>>
    %dma_start3A_203 = tpu.memref_slice %arg6[%mul3A_201] : memref<4194304xf32, #tpu.memory_space<hbm>> -> memref<8192xf32, #tpu.memory_space<hbm>>
    tpu.enqueue_dma source(%arg10 : memref<8192xf32, #tpu.memory_space<vmem>>) target(%dma_start3A_203 : memref<8192xf32, #tpu.memory_space<hbm>>) target_semaphore(%arg15 : memref<!tpu.dma_semaphore, #tpu.memory_space<semaphore_mem>>)
    "tpu.region"() ({
      %run_scoped3A = tpu.sem_alloc : memref<!tpu.dma_semaphore, #tpu.memory_space<semaphore_mem>>
      %dma_start3A_272 = arith.constant 40960 : i32
      %dma_start3A_273 = tpu.memref_slice %arg3[%dma_start3A_272] : memref<65536xi32, #tpu.memory_space<hbm>> -> memref<8192xi32, #tpu.memory_space<hbm>>
      %dma_start3A_274 = arith.constant 40960 : i32
      %dma_start3A_275 = tpu.memref_slice %arg3[%dma_start3A_274] : memref<65536xi32, #tpu.memory_space<hbm>> -> memref<8192xi32, #tpu.memory_space<hbm>>
      tpu.enqueue_dma source(%dma_start3A_275 : memref<8192xi32, #tpu.memory_space<hbm>>) target(%arg9 : memref<8192xi32, #tpu.memory_space<vmem>>) target_semaphore(%run_scoped3A : memref<!tpu.dma_semaphore, #tpu.memory_space<semaphore_mem>>)
      %dma_wait3A_276 = arith.constant 40960 : i32
      %dma_wait3A_277 = tpu.memref_slice %arg3[%dma_wait3A_276] : memref<65536xi32, #tpu.memory_space<hbm>> -> memref<8192xi32, #tpu.memory_space<hbm>>
      %dma_wait3A_278 = arith.constant 40960 : i32
      %dma_wait3A_279 = tpu.memref_slice %arg3[%dma_wait3A_278] : memref<65536xi32, #tpu.memory_space<hbm>> -> memref<8192xi32, #tpu.memory_space<hbm>>
      tpu.wait_dma2 semaphore(%run_scoped3A : memref<!tpu.dma_semaphore, #tpu.memory_space<semaphore_mem>>) src(%dma_wait3A_279 : memref<8192xi32, #tpu.memory_space<hbm>>) dst(%arg9 : memref<8192xi32, #tpu.memory_space<vmem>>)
      tpu.yield
    }) : () -> ()
    %dma_wait3A_204 = tpu.memref_slice %arg6[%mul3A_187] : memref<4194304xf32, #tpu.memory_space<hbm>> -> memref<8192xf32, #tpu.memory_space<hbm>>
    %dma_wait3A_205 = tpu.memref_slice %arg6[%mul3A_187] : memref<4194304xf32, #tpu.memory_space<hbm>> -> memref<8192xf32, #tpu.memory_space<hbm>>
    tpu.wait_dma2 semaphore(%arg15 : memref<!tpu.dma_semaphore, #tpu.memory_space<semaphore_mem>>) src(%arg11 : memref<8192xf32, #tpu.memory_space<vmem>>) dst(%dma_wait3A_205 : memref<8192xf32, #tpu.memory_space<hbm>>)
    %scan3A_206 = arith.constant 0 : i32
    %scan3A_207 = arith.constant 0 : i32
    %scan3A_208 = arith.constant 512 : i32
    %scan3A_209 = arith.addi %scan3A_207, %scan3A_208 : i32
    %scan3A_210 = arith.constant 1 : i32
    scf.for %scan3A_272 = %scan3A_207 to %scan3A_209 step %scan3A_210  : i32 {
      %mul3A_273 = arith.constant 16 : i32
      %mul3A_274 = arith.muli %scan3A_272, %mul3A_273 : i32
      %get3A_275 = arith.index_cast %mul3A_274 : i32 to index
      %get3A_276 = tpu.vector_load %arg9[%get3A_275] {strides = array<i32>} : memref<8192xi32, #tpu.memory_space<vmem>>, vector<16xi32>,
      %gather3A_277 = tpu.vector_load_idx %arg8[%get3A_276] : memref<100000xf32, #tpu.memory_space<vmem>>[vector<16xi32>], vector<16xf32>,
      %mul3A_278 = arith.constant 16 : i32
      %mul3A_279 = arith.muli %scan3A_272, %mul3A_278 : i32
      %swap3A_280 = arith.index_cast %mul3A_279 : i32 to index
      %swap3A_281 = tpu.vector_load %arg11[%swap3A_280] {strides = array<i32>} : memref<8192xf32, #tpu.memory_space<vmem>>, vector<16xf32>,
      tpu.vector_store %arg11[%swap3A_280], %gather3A_277 {strides = array<i32>} : memref<8192xf32, #tpu.memory_space<vmem>>, vector<16xf32>,
    }
    %scan3A_211 = arith.constant 512 : i32
    %add3A_212 = arith.constant 320 : i32
    %add3A_213 = arith.addi %add3A_212, %add3A_137 : i32
    %mul3A_214 = arith.constant 8192 : i32
    %mul3A_215 = arith.muli %add3A_213, %mul3A_214 : i32
    %dma_start3A_216 = tpu.memref_slice %arg6[%mul3A_215] : memref<4194304xf32, #tpu.memory_space<hbm>> -> memref<8192xf32, #tpu.memory_space<hbm>>
    %dma_start3A_217 = tpu.memref_slice %arg6[%mul3A_215] : memref<4194304xf32, #tpu.memory_space<hbm>> -> memref<8192xf32, #tpu.memory_space<hbm>>
    tpu.enqueue_dma source(%arg11 : memref<8192xf32, #tpu.memory_space<vmem>>) target(%dma_start3A_217 : memref<8192xf32, #tpu.memory_space<hbm>>) target_semaphore(%arg15 : memref<!tpu.dma_semaphore, #tpu.memory_space<semaphore_mem>>)
    "tpu.region"() ({
      %run_scoped3A = tpu.sem_alloc : memref<!tpu.dma_semaphore, #tpu.memory_space<semaphore_mem>>
      %dma_start3A_272 = arith.constant 49152 : i32
      %dma_start3A_273 = tpu.memref_slice %arg3[%dma_start3A_272] : memref<65536xi32, #tpu.memory_space<hbm>> -> memref<8192xi32, #tpu.memory_space<hbm>>
      %dma_start3A_274 = arith.constant 49152 : i32
      %dma_start3A_275 = tpu.memref_slice %arg3[%dma_start3A_274] : memref<65536xi32, #tpu.memory_space<hbm>> -> memref<8192xi32, #tpu.memory_space<hbm>>
      tpu.enqueue_dma source(%dma_start3A_275 : memref<8192xi32, #tpu.memory_space<hbm>>) target(%arg9 : memref<8192xi32, #tpu.memory_space<vmem>>) target_semaphore(%run_scoped3A : memref<!tpu.dma_semaphore, #tpu.memory_space<semaphore_mem>>)
      %dma_wait3A_276 = arith.constant 49152 : i32
      %dma_wait3A_277 = tpu.memref_slice %arg3[%dma_wait3A_276] : memref<65536xi32, #tpu.memory_space<hbm>> -> memref<8192xi32, #tpu.memory_space<hbm>>
      %dma_wait3A_278 = arith.constant 49152 : i32
      %dma_wait3A_279 = tpu.memref_slice %arg3[%dma_wait3A_278] : memref<65536xi32, #tpu.memory_space<hbm>> -> memref<8192xi32, #tpu.memory_space<hbm>>
      tpu.wait_dma2 semaphore(%run_scoped3A : memref<!tpu.dma_semaphore, #tpu.memory_space<semaphore_mem>>) src(%dma_wait3A_279 : memref<8192xi32, #tpu.memory_space<hbm>>) dst(%arg9 : memref<8192xi32, #tpu.memory_space<vmem>>)
      tpu.yield
    }) : () -> ()
    %dma_wait3A_218 = tpu.memref_slice %arg6[%mul3A_201] : memref<4194304xf32, #tpu.memory_space<hbm>> -> memref<8192xf32, #tpu.memory_space<hbm>>
    %dma_wait3A_219 = tpu.memref_slice %arg6[%mul3A_201] : memref<4194304xf32, #tpu.memory_space<hbm>> -> memref<8192xf32, #tpu.memory_space<hbm>>
    tpu.wait_dma2 semaphore(%arg15 : memref<!tpu.dma_semaphore, #tpu.memory_space<semaphore_mem>>) src(%arg10 : memref<8192xf32, #tpu.memory_space<vmem>>) dst(%dma_wait3A_219 : memref<8192xf32, #tpu.memory_space<hbm>>)
    %scan3A_220 = arith.constant 0 : i32
    %scan3A_221 = arith.constant 0 : i32
    %scan3A_222 = arith.constant 512 : i32
    %scan3A_223 = arith.addi %scan3A_221, %scan3A_222 : i32
    %scan3A_224 = arith.constant 1 : i32
    scf.for %scan3A_272 = %scan3A_221 to %scan3A_223 step %scan3A_224  : i32 {
      %mul3A_273 = arith.constant 16 : i32
      %mul3A_274 = arith.muli %scan3A_272, %mul3A_273 : i32
      %get3A_275 = arith.index_cast %mul3A_274 : i32 to index
      %get3A_276 = tpu.vector_load %arg9[%get3A_275] {strides = array<i32>} : memref<8192xi32, #tpu.memory_space<vmem>>, vector<16xi32>,
      %gather3A_277 = tpu.vector_load_idx %arg8[%get3A_276] : memref<100000xf32, #tpu.memory_space<vmem>>[vector<16xi32>], vector<16xf32>,
      %mul3A_278 = arith.constant 16 : i32
      %mul3A_279 = arith.muli %scan3A_272, %mul3A_278 : i32
      %swap3A_280 = arith.index_cast %mul3A_279 : i32 to index
      %swap3A_281 = tpu.vector_load %arg10[%swap3A_280] {strides = array<i32>} : memref<8192xf32, #tpu.memory_space<vmem>>, vector<16xf32>,
      tpu.vector_store %arg10[%swap3A_280], %gather3A_277 {strides = array<i32>} : memref<8192xf32, #tpu.memory_space<vmem>>, vector<16xf32>,
    }
    %scan3A_225 = arith.constant 512 : i32
    %add3A_226 = arith.constant 384 : i32
    %add3A_227 = arith.addi %add3A_226, %add3A_137 : i32
    %mul3A_228 = arith.constant 8192 : i32
    %mul3A_229 = arith.muli %add3A_227, %mul3A_228 : i32
    %dma_start3A_230 = tpu.memref_slice %arg6[%mul3A_229] : memref<4194304xf32, #tpu.memory_space<hbm>> -> memref<8192xf32, #tpu.memory_space<hbm>>
    %dma_start3A_231 = tpu.memref_slice %arg6[%mul3A_229] : memref<4194304xf32, #tpu.memory_space<hbm>> -> memref<8192xf32, #tpu.memory_space<hbm>>
    tpu.enqueue_dma source(%arg10 : memref<8192xf32, #tpu.memory_space<vmem>>) target(%dma_start3A_231 : memref<8192xf32, #tpu.memory_space<hbm>>) target_semaphore(%arg15 : memref<!tpu.dma_semaphore, #tpu.memory_space<semaphore_mem>>)
    "tpu.region"() ({
      %run_scoped3A = tpu.sem_alloc : memref<!tpu.dma_semaphore, #tpu.memory_space<semaphore_mem>>
      %dma_start3A_272 = arith.constant 57344 : i32
      %dma_start3A_273 = tpu.memref_slice %arg3[%dma_start3A_272] : memref<65536xi32, #tpu.memory_space<hbm>> -> memref<8192xi32, #tpu.memory_space<hbm>>
      %dma_start3A_274 = arith.constant 57344 : i32
      %dma_start3A_275 = tpu.memref_slice %arg3[%dma_start3A_274] : memref<65536xi32, #tpu.memory_space<hbm>> -> memref<8192xi32, #tpu.memory_space<hbm>>
      tpu.enqueue_dma source(%dma_start3A_275 : memref<8192xi32, #tpu.memory_space<hbm>>) target(%arg9 : memref<8192xi32, #tpu.memory_space<vmem>>) target_semaphore(%run_scoped3A : memref<!tpu.dma_semaphore, #tpu.memory_space<semaphore_mem>>)
      %dma_wait3A_276 = arith.constant 57344 : i32
      %dma_wait3A_277 = tpu.memref_slice %arg3[%dma_wait3A_276] : memref<65536xi32, #tpu.memory_space<hbm>> -> memref<8192xi32, #tpu.memory_space<hbm>>
      %dma_wait3A_278 = arith.constant 57344 : i32
      %dma_wait3A_279 = tpu.memref_slice %arg3[%dma_wait3A_278] : memref<65536xi32, #tpu.memory_space<hbm>> -> memref<8192xi32, #tpu.memory_space<hbm>>
      tpu.wait_dma2 semaphore(%run_scoped3A : memref<!tpu.dma_semaphore, #tpu.memory_space<semaphore_mem>>) src(%dma_wait3A_279 : memref<8192xi32, #tpu.memory_space<hbm>>) dst(%arg9 : memref<8192xi32, #tpu.memory_space<vmem>>)
      tpu.yield
    }) : () -> ()
    %dma_wait3A_232 = tpu.memref_slice %arg6[%mul3A_215] : memref<4194304xf32, #tpu.memory_space<hbm>> -> memref<8192xf32, #tpu.memory_space<hbm>>
    %dma_wait3A_233 = tpu.memref_slice %arg6[%mul3A_215] : memref<4194304xf32, #tpu.memory_space<hbm>> -> memref<8192xf32, #tpu.memory_space<hbm>>
    tpu.wait_dma2 semaphore(%arg15 : memref<!tpu.dma_semaphore, #tpu.memory_space<semaphore_mem>>) src(%arg11 : memref<8192xf32, #tpu.memory_space<vmem>>) dst(%dma_wait3A_233 : memref<8192xf32, #tpu.memory_space<hbm>>)
    %scan3A_234 = arith.constant 0 : i32
    %scan3A_235 = arith.constant 0 : i32
    %scan3A_236 = arith.constant 512 : i32
    %scan3A_237 = arith.addi %scan3A_235, %scan3A_236 : i32
    %scan3A_238 = arith.constant 1 : i32
    scf.for %scan3A_272 = %scan3A_235 to %scan3A_237 step %scan3A_238  : i32 {
      %mul3A_273 = arith.constant 16 : i32
      %mul3A_274 = arith.muli %scan3A_272, %mul3A_273 : i32
      %get3A_275 = arith.index_cast %mul3A_274 : i32 to index
      %get3A_276 = tpu.vector_load %arg9[%get3A_275] {strides = array<i32>} : memref<8192xi32, #tpu.memory_space<vmem>>, vector<16xi32>,
      %gather3A_277 = tpu.vector_load_idx %arg8[%get3A_276] : memref<100000xf32, #tpu.memory_space<vmem>>[vector<16xi32>], vector<16xf32>,
      %mul3A_278 = arith.constant 16 : i32
      %mul3A_279 = arith.muli %scan3A_272, %mul3A_278 : i32
      %swap3A_280 = arith.index_cast %mul3A_279 : i32 to index
      %swap3A_281 = tpu.vector_load %arg11[%swap3A_280] {strides = array<i32>} : memref<8192xf32, #tpu.memory_space<vmem>>, vector<16xf32>,
      tpu.vector_store %arg11[%swap3A_280], %gather3A_277 {strides = array<i32>} : memref<8192xf32, #tpu.memory_space<vmem>>, vector<16xf32>,
    }
    %scan3A_239 = arith.constant 512 : i32
    %add3A_240 = arith.constant 448 : i32
    %add3A_241 = arith.addi %add3A_240, %add3A_137 : i32
    %mul3A_242 = arith.constant 8192 : i32
    %mul3A_243 = arith.muli %add3A_241, %mul3A_242 : i32
    %dma_start3A_244 = tpu.memref_slice %arg6[%mul3A_243] : memref<4194304xf32, #tpu.memory_space<hbm>> -> memref<8192xf32, #tpu.memory_space<hbm>>
    %dma_start3A_245 = tpu.memref_slice %arg6[%mul3A_243] : memref<4194304xf32, #tpu.memory_space<hbm>> -> memref<8192xf32, #tpu.memory_space<hbm>>
    tpu.enqueue_dma source(%arg11 : memref<8192xf32, #tpu.memory_space<vmem>>) target(%dma_start3A_245 : memref<8192xf32, #tpu.memory_space<hbm>>) target_semaphore(%arg15 : memref<!tpu.dma_semaphore, #tpu.memory_space<semaphore_mem>>)
    %dma_wait3A_246 = tpu.memref_slice %arg6[%mul3A_229] : memref<4194304xf32, #tpu.memory_space<hbm>> -> memref<8192xf32, #tpu.memory_space<hbm>>
    %dma_wait3A_247 = tpu.memref_slice %arg6[%mul3A_229] : memref<4194304xf32, #tpu.memory_space<hbm>> -> memref<8192xf32, #tpu.memory_space<hbm>>
    tpu.wait_dma2 semaphore(%arg15 : memref<!tpu.dma_semaphore, #tpu.memory_space<semaphore_mem>>) src(%arg10 : memref<8192xf32, #tpu.memory_space<vmem>>) dst(%dma_wait3A_247 : memref<8192xf32, #tpu.memory_space<hbm>>)
    %dma_wait3A_248 = tpu.memref_slice %arg6[%mul3A_243] : memref<4194304xf32, #tpu.memory_space<hbm>> -> memref<8192xf32, #tpu.memory_space<hbm>>
    %dma_wait3A_249 = tpu.memref_slice %arg6[%mul3A_243] : memref<4194304xf32, #tpu.memory_space<hbm>> -> memref<8192xf32, #tpu.memory_space<hbm>>
    tpu.wait_dma2 semaphore(%arg15 : memref<!tpu.dma_semaphore, #tpu.memory_space<semaphore_mem>>) src(%arg11 : memref<8192xf32, #tpu.memory_space<vmem>>) dst(%dma_wait3A_249 : memref<8192xf32, #tpu.memory_space<hbm>>)
    "tpu.region"() ({
      %run_scoped3A = tpu.sem_alloc : memref<!tpu.dma_semaphore, #tpu.memory_space<semaphore_mem>>
      %dma_start3A_272 = arith.constant 0 : i32
      %dma_start3A_273 = tpu.memref_slice %arg4[%add3A_137, %dma_start3A_272] : memref<64x100000xf32, #tpu.memory_space<hbm>> -> memref<1x100000xf32, #tpu.memory_space<hbm>>
      %dma_start3A_274 = tpu.memref_squeeze %dma_start3A_273 : memref<1x100000xf32, #tpu.memory_space<hbm>> -> memref<100000xf32, #tpu.memory_space<hbm>>
      %dma_start3A_275 = arith.constant 0 : i32
      %dma_start3A_276 = tpu.memref_slice %arg4[%add3A_137, %dma_start3A_275] : memref<64x100000xf32, #tpu.memory_space<hbm>> -> memref<1x100000xf32, #tpu.memory_space<hbm>>
      %dma_start3A_277 = tpu.memref_squeeze %dma_start3A_276 : memref<1x100000xf32, #tpu.memory_space<hbm>> -> memref<100000xf32, #tpu.memory_space<hbm>>
      tpu.enqueue_dma source(%dma_start3A_277 : memref<100000xf32, #tpu.memory_space<hbm>>) target(%arg8 : memref<100000xf32, #tpu.memory_space<vmem>>) target_semaphore(%run_scoped3A : memref<!tpu.dma_semaphore, #tpu.memory_space<semaphore_mem>>)
      %dma_wait3A_278 = arith.constant 0 : i32
      %dma_wait3A_279 = tpu.memref_slice %arg4[%add3A_137, %dma_wait3A_278] : memref<64x100000xf32, #tpu.memory_space<hbm>> -> memref<1x100000xf32, #tpu.memory_space<hbm>>
      %dma_wait3A_280 = tpu.memref_squeeze %dma_wait3A_279 : memref<1x100000xf32, #tpu.memory_space<hbm>> -> memref<100000xf32, #tpu.memory_space<hbm>>
      %dma_wait3A_281 = arith.constant 0 : i32
      %dma_wait3A_282 = tpu.memref_slice %arg4[%add3A_137, %dma_wait3A_281] : memref<64x100000xf32, #tpu.memory_space<hbm>> -> memref<1x100000xf32, #tpu.memory_space<hbm>>
      %dma_wait3A_283 = tpu.memref_squeeze %dma_wait3A_282 : memref<1x100000xf32, #tpu.memory_space<hbm>> -> memref<100000xf32, #tpu.memory_space<hbm>>
      tpu.wait_dma2 semaphore(%run_scoped3A : memref<!tpu.dma_semaphore, #tpu.memory_space<semaphore_mem>>) src(%dma_wait3A_283 : memref<100000xf32, #tpu.memory_space<hbm>>) dst(%arg8 : memref<100000xf32, #tpu.memory_space<vmem>>)
      tpu.yield
    }) : () -> ()
    %get3A_250 = arith.constant 0 : index
    %get3A_251 = tpu.vector_load %arg12[%get3A_250] {strides = array<i32>} : memref<64xi32, #tpu.memory_space<vmem>>, vector<16xi32>,
    %gather3A_252 = tpu.vector_load_idx %arg8[%get3A_251] : memref<100000xf32, #tpu.memory_space<vmem>>[vector<16xi32>], vector<16xf32>,
    %swap3A_253 = arith.constant 0 : index
    %swap3A_254 = tpu.vector_load %arg13[%swap3A_253] {strides = array<i32>} : memref<64xf32, #tpu.memory_space<vmem>>, vector<16xf32>,
    tpu.vector_store %arg13[%swap3A_253], %gather3A_252 {strides = array<i32>} : memref<64xf32, #tpu.memory_space<vmem>>, vector<16xf32>,
    %get3A_255 = arith.constant 16 : index
    %get3A_256 = tpu.vector_load %arg12[%get3A_255] {strides = array<i32>} : memref<64xi32, #tpu.memory_space<vmem>>, vector<16xi32>,
    %gather3A_257 = tpu.vector_load_idx %arg8[%get3A_256] : memref<100000xf32, #tpu.memory_space<vmem>>[vector<16xi32>], vector<16xf32>,
    %swap3A_258 = arith.constant 16 : index
    %swap3A_259 = tpu.vector_load %arg13[%swap3A_258] {strides = array<i32>} : memref<64xf32, #tpu.memory_space<vmem>>, vector<16xf32>,
    tpu.vector_store %arg13[%swap3A_258], %gather3A_257 {strides = array<i32>} : memref<64xf32, #tpu.memory_space<vmem>>, vector<16xf32>,
    %get3A_260 = arith.constant 32 : index
    %get3A_261 = tpu.vector_load %arg12[%get3A_260] {strides = array<i32>} : memref<64xi32, #tpu.memory_space<vmem>>, vector<16xi32>,
    %gather3A_262 = tpu.vector_load_idx %arg8[%get3A_261] : memref<100000xf32, #tpu.memory_space<vmem>>[vector<16xi32>], vector<16xf32>,
    %swap3A_263 = arith.constant 32 : index
    %swap3A_264 = tpu.vector_load %arg13[%swap3A_263] {strides = array<i32>} : memref<64xf32, #tpu.memory_space<vmem>>, vector<16xf32>,
    tpu.vector_store %arg13[%swap3A_263], %gather3A_262 {strides = array<i32>} : memref<64xf32, #tpu.memory_space<vmem>>, vector<16xf32>,
    %get3A_265 = arith.constant 48 : index
    %get3A_266 = tpu.vector_load %arg12[%get3A_265] {strides = array<i32>} : memref<64xi32, #tpu.memory_space<vmem>>, vector<16xi32>,
    %gather3A_267 = tpu.vector_load_idx %arg8[%get3A_266] : memref<100000xf32, #tpu.memory_space<vmem>>[vector<16xi32>], vector<16xf32>,
    %swap3A_268 = arith.constant 48 : index
    %swap3A_269 = tpu.vector_load %arg13[%swap3A_268] {strides = array<i32>} : memref<64xf32, #tpu.memory_space<vmem>>, vector<16xf32>,
    tpu.vector_store %arg13[%swap3A_268], %gather3A_267 {strides = array<i32>} : memref<64xf32, #tpu.memory_space<vmem>>, vector<16xf32>,
    %mul3A_270 = arith.constant 64 : i32
    %mul3A_271 = arith.muli %add3A_137, %mul3A_270 : i32
    "tpu.region"() ({
      %run_scoped3A = tpu.sem_alloc : memref<!tpu.dma_semaphore, #tpu.memory_space<semaphore_mem>>
      %dma_start3A_272 = tpu.memref_slice %arg7[%mul3A_271] : memref<4096xf32, #tpu.memory_space<hbm>> -> memref<64xf32, #tpu.memory_space<hbm>>
      %dma_start3A_273 = tpu.memref_slice %arg7[%mul3A_271] : memref<4096xf32, #tpu.memory_space<hbm>> -> memref<64xf32, #tpu.memory_space<hbm>>
      tpu.enqueue_dma source(%arg13 : memref<64xf32, #tpu.memory_space<vmem>>) target(%dma_start3A_273 : memref<64xf32, #tpu.memory_space<hbm>>) target_semaphore(%run_scoped3A : memref<!tpu.dma_semaphore, #tpu.memory_space<semaphore_mem>>)
      %dma_wait3A_274 = tpu.memref_slice %arg7[%mul3A_271] : memref<4096xf32, #tpu.memory_space<hbm>> -> memref<64xf32, #tpu.memory_space<hbm>>
      %dma_wait3A_275 = tpu.memref_slice %arg7[%mul3A_271] : memref<4096xf32, #tpu.memory_space<hbm>> -> memref<64xf32, #tpu.memory_space<hbm>>
      tpu.wait_dma2 semaphore(%run_scoped3A : memref<!tpu.dma_semaphore, #tpu.memory_space<semaphore_mem>>) src(%arg13 : memref<64xf32, #tpu.memory_space<vmem>>) dst(%dma_wait3A_275 : memref<64xf32, #tpu.memory_space<hbm>>)
      tpu.yield
    }) : () -> ()
    return
  }
}

module attributes {stable_mosaic.version = 14 : i64} {
  func.func @_tc_body(%arg0: i32, %arg1: memref<512x64x128xf32, #tpu.memory_space<vmem>>, %arg2: memref<64x64xf32, #tpu.memory_space<vmem>>, %arg3: memref<512x1xi32, #tpu.memory_space<vmem>>, %arg4: memref<512x512xf32, #tpu.memory_space<vmem>>, %arg5: memref<1x512xf32, #tpu.memory_space<vmem>>, %arg6: memref<512x128xf32, #tpu.memory_space<vmem>>, %arg7: memref<1x128xf32, #tpu.memory_space<vmem>>, %arg8: memref<512x512xf32, #tpu.memory_space<vmem>>, %arg9: memref<512x1xf32, #tpu.memory_space<vmem>>, %arg10: memref<512x128xf32, #tpu.memory_space<vmem>>, %arg11: memref<1x128xf32, #tpu.memory_space<vmem>>, %arg12: memref<512x512xf32, #tpu.memory_space<vmem>>, %arg13: memref<512x1xf32, #tpu.memory_space<vmem>>, %arg14: memref<512x128xf32, #tpu.memory_space<vmem>>, %arg15: memref<1x128xf32, #tpu.memory_space<vmem>>, %arg16: memref<8x128xf32, #tpu.memory_space<vmem>>, %arg17: memref<2x512x128xf32, #tpu.memory_space<vmem>>, %arg18: memref<512x2xf32, #tpu.memory_space<vmem>>) attributes {dimension_semantics = [#tpu.dimension_semantics<arbitrary>], iteration_bounds = array<i64: 16>, scalar_prefetch = 0 : i64, scratch_operands = 0 : i64, tpu.core_type = #tpu.core_type<tc>, window_params = [{pipeline_mode = #tpu.pipeline_mode<synchronous>, transform_indices = @transform_0, window_bounds = array<i64: 512, 64, 128>}, {pipeline_mode = #tpu.pipeline_mode<synchronous>, transform_indices = @transform_1, window_bounds = array<i64: 64, 64>}, {transform_indices = @transform_2, window_bounds = array<i64: 512, 1>}, {pipeline_mode = #tpu.pipeline_mode<synchronous>, transform_indices = @transform_3, window_bounds = array<i64: 512, 512>}, {pipeline_mode = #tpu.pipeline_mode<synchronous>, transform_indices = @transform_4, window_bounds = array<i64: 1, 512>}, {pipeline_mode = #tpu.pipeline_mode<synchronous>, transform_indices = @transform_5, window_bounds = array<i64: 512, 128>}, {pipeline_mode = #tpu.pipeline_mode<synchronous>, transform_indices = @transform_6, window_bounds = array<i64: 1, 128>}, {pipeline_mode = #tpu.pipeline_mode<synchronous>, transform_indices = @transform_7, window_bounds = array<i64: 512, 512>}, {pipeline_mode = #tpu.pipeline_mode<synchronous>, transform_indices = @transform_8, window_bounds = array<i64: 512, 1>}, {pipeline_mode = #tpu.pipeline_mode<synchronous>, transform_indices = @transform_9, window_bounds = array<i64: 512, 128>}, {pipeline_mode = #tpu.pipeline_mode<synchronous>, transform_indices = @transform_10, window_bounds = array<i64: 1, 128>}, {pipeline_mode = #tpu.pipeline_mode<synchronous>, transform_indices = @transform_11, window_bounds = array<i64: 512, 512>}, {pipeline_mode = #tpu.pipeline_mode<synchronous>, transform_indices = @transform_12, window_bounds = array<i64: 512, 1>}, {pipeline_mode = #tpu.pipeline_mode<synchronous>, transform_indices = @transform_13, window_bounds = array<i64: 512, 128>}, {pipeline_mode = #tpu.pipeline_mode<synchronous>, transform_indices = @transform_14, window_bounds = array<i64: 1, 128>}, {pipeline_mode = #tpu.pipeline_mode<synchronous>, transform_indices = @transform_15, window_bounds = array<i64: 8, 128>}, {transform_indices = @transform_16, window_bounds = array<i64: 2, 512, 128>}, {transform_indices = @transform_17, window_bounds = array<i64: 512, 2>}]} {
    %eq3A = arith.constant 0 : i32
    %eq3A_0 = arith.cmpi eq, %arg0, %eq3A : i32
    %convert_element_type3A = arith.extui %eq3A_0 : i1 to i32
    %cond3A = arith.constant 0 : i32
    %cond3A_1 = arith.cmpi ne, %convert_element_type3A, %cond3A : i32
    scf.if %cond3A_1 {
      %get3A_111 = arith.constant 0 : index
      %get3A_112 = arith.constant 0 : index
      %get3A_113 = vector.load %arg2[%get3A_111, %get3A_112] : memref<64x64xf32, #tpu.memory_space<vmem>>, vector<64x64xf32>
      %get3A_114 = arith.constant 0 : index
      %get3A_115 = arith.constant 0 : index
      %get3A_116 = vector.load %arg5[%get3A_114, %get3A_115] : memref<1x512xf32, #tpu.memory_space<vmem>>, vector<1x512xf32>
      %slice3A = vector.extract_strided_slice %get3A_113 {offsets = [0, 0], sizes = [64, 8], strides = [1, 1]} : vector<64x64xf32> to vector<64x8xf32>
      %get3A_117 = arith.constant 0 : index
      %get3A_118 = arith.constant 0 : index
      %get3A_119 = vector.load %arg4[%get3A_117, %get3A_118] : memref<512x512xf32, #tpu.memory_space<vmem>>, vector<64x512xf32>
      %dot_general3A_120 = arith.constant dense<0.000000e+00> : vector<8x512xf32>
      %dot_general3A_121 = tpu.matmul %slice3A, %get3A_119, %dot_general3A_120 {dimension_numbers = #tpu.dot_dimension_numbers<[0], [0], [1], [1], [0, 1, 1, 1], [], []>, transpose_lhs_hint = false} : vector<64x8xf32>, vector<64x512xf32>, vector<8x512xf32> -> vector<8x512xf32>
      %add3A_122 = vector.broadcast %get3A_116 : vector<1x512xf32> to vector<8x512xf32>
      %add3A_123 = arith.addf %add3A_122, %dot_general3A_121 : vector<8x512xf32>
      %slice3A_124 = vector.extract_strided_slice %get3A_113 {offsets = [0, 8], sizes = [64, 8], strides = [1, 1]} : vector<64x64xf32> to vector<64x8xf32>
      %get3A_125 = arith.constant 64 : index
      %get3A_126 = arith.constant 0 : index
      %get3A_127 = vector.load %arg4[%get3A_125, %get3A_126] : memref<512x512xf32, #tpu.memory_space<vmem>>, vector<64x512xf32>
      %dot_general3A_128 = arith.constant dense<0.000000e+00> : vector<8x512xf32>
      %dot_general3A_129 = tpu.matmul %slice3A_124, %get3A_127, %dot_general3A_128 {dimension_numbers = #tpu.dot_dimension_numbers<[0], [0], [1], [1], [0, 1, 1, 1], [], []>, transpose_lhs_hint = false} : vector<64x8xf32>, vector<64x512xf32>, vector<8x512xf32> -> vector<8x512xf32>
      %add3A_130 = arith.addf %add3A_123, %dot_general3A_129 : vector<8x512xf32>
      %slice3A_131 = vector.extract_strided_slice %get3A_113 {offsets = [0, 16], sizes = [64, 8], strides = [1, 1]} : vector<64x64xf32> to vector<64x8xf32>
      %get3A_132 = arith.constant 128 : index
      %get3A_133 = arith.constant 0 : index
      %get3A_134 = vector.load %arg4[%get3A_132, %get3A_133] : memref<512x512xf32, #tpu.memory_space<vmem>>, vector<64x512xf32>
      %dot_general3A_135 = arith.constant dense<0.000000e+00> : vector<8x512xf32>
      %dot_general3A_136 = tpu.matmul %slice3A_131, %get3A_134, %dot_general3A_135 {dimension_numbers = #tpu.dot_dimension_numbers<[0], [0], [1], [1], [0, 1, 1, 1], [], []>, transpose_lhs_hint = false} : vector<64x8xf32>, vector<64x512xf32>, vector<8x512xf32> -> vector<8x512xf32>
      %add3A_137 = arith.addf %add3A_130, %dot_general3A_136 : vector<8x512xf32>
      %slice3A_138 = vector.extract_strided_slice %get3A_113 {offsets = [0, 24], sizes = [64, 8], strides = [1, 1]} : vector<64x64xf32> to vector<64x8xf32>
      %get3A_139 = arith.constant 192 : index
      %get3A_140 = arith.constant 0 : index
      %get3A_141 = vector.load %arg4[%get3A_139, %get3A_140] : memref<512x512xf32, #tpu.memory_space<vmem>>, vector<64x512xf32>
      %dot_general3A_142 = arith.constant dense<0.000000e+00> : vector<8x512xf32>
      %dot_general3A_143 = tpu.matmul %slice3A_138, %get3A_141, %dot_general3A_142 {dimension_numbers = #tpu.dot_dimension_numbers<[0], [0], [1], [1], [0, 1, 1, 1], [], []>, transpose_lhs_hint = false} : vector<64x8xf32>, vector<64x512xf32>, vector<8x512xf32> -> vector<8x512xf32>
      %add3A_144 = arith.addf %add3A_137, %dot_general3A_143 : vector<8x512xf32>
      %slice3A_145 = vector.extract_strided_slice %get3A_113 {offsets = [0, 32], sizes = [64, 8], strides = [1, 1]} : vector<64x64xf32> to vector<64x8xf32>
      %get3A_146 = arith.constant 256 : index
      %get3A_147 = arith.constant 0 : index
      %get3A_148 = vector.load %arg4[%get3A_146, %get3A_147] : memref<512x512xf32, #tpu.memory_space<vmem>>, vector<64x512xf32>
      %dot_general3A_149 = arith.constant dense<0.000000e+00> : vector<8x512xf32>
      %dot_general3A_150 = tpu.matmul %slice3A_145, %get3A_148, %dot_general3A_149 {dimension_numbers = #tpu.dot_dimension_numbers<[0], [0], [1], [1], [0, 1, 1, 1], [], []>, transpose_lhs_hint = false} : vector<64x8xf32>, vector<64x512xf32>, vector<8x512xf32> -> vector<8x512xf32>
      %add3A_151 = arith.addf %add3A_144, %dot_general3A_150 : vector<8x512xf32>
      %slice3A_152 = vector.extract_strided_slice %get3A_113 {offsets = [0, 40], sizes = [64, 8], strides = [1, 1]} : vector<64x64xf32> to vector<64x8xf32>
      %get3A_153 = arith.constant 320 : index
      %get3A_154 = arith.constant 0 : index
      %get3A_155 = vector.load %arg4[%get3A_153, %get3A_154] : memref<512x512xf32, #tpu.memory_space<vmem>>, vector<64x512xf32>
      %dot_general3A_156 = arith.constant dense<0.000000e+00> : vector<8x512xf32>
      %dot_general3A_157 = tpu.matmul %slice3A_152, %get3A_155, %dot_general3A_156 {dimension_numbers = #tpu.dot_dimension_numbers<[0], [0], [1], [1], [0, 1, 1, 1], [], []>, transpose_lhs_hint = false} : vector<64x8xf32>, vector<64x512xf32>, vector<8x512xf32> -> vector<8x512xf32>
      %add3A_158 = arith.addf %add3A_151, %dot_general3A_157 : vector<8x512xf32>
      %slice3A_159 = vector.extract_strided_slice %get3A_113 {offsets = [0, 48], sizes = [64, 8], strides = [1, 1]} : vector<64x64xf32> to vector<64x8xf32>
      %get3A_160 = arith.constant 384 : index
      %get3A_161 = arith.constant 0 : index
      %get3A_162 = vector.load %arg4[%get3A_160, %get3A_161] : memref<512x512xf32, #tpu.memory_space<vmem>>, vector<64x512xf32>
      %dot_general3A_163 = arith.constant dense<0.000000e+00> : vector<8x512xf32>
      %dot_general3A_164 = tpu.matmul %slice3A_159, %get3A_162, %dot_general3A_163 {dimension_numbers = #tpu.dot_dimension_numbers<[0], [0], [1], [1], [0, 1, 1, 1], [], []>, transpose_lhs_hint = false} : vector<64x8xf32>, vector<64x512xf32>, vector<8x512xf32> -> vector<8x512xf32>
      %add3A_165 = arith.addf %add3A_158, %dot_general3A_164 : vector<8x512xf32>
      %slice3A_166 = vector.extract_strided_slice %get3A_113 {offsets = [0, 56], sizes = [64, 8], strides = [1, 1]} : vector<64x64xf32> to vector<64x8xf32>
      %get3A_167 = arith.constant 448 : index
      %get3A_168 = arith.constant 0 : index
      %get3A_169 = vector.load %arg4[%get3A_167, %get3A_168] : memref<512x512xf32, #tpu.memory_space<vmem>>, vector<64x512xf32>
      %dot_general3A_170 = arith.constant dense<0.000000e+00> : vector<8x512xf32>
      %dot_general3A_171 = tpu.matmul %slice3A_166, %get3A_169, %dot_general3A_170 {dimension_numbers = #tpu.dot_dimension_numbers<[0], [0], [1], [1], [0, 1, 1, 1], [], []>, transpose_lhs_hint = false} : vector<64x8xf32>, vector<64x512xf32>, vector<8x512xf32> -> vector<8x512xf32>
      %add3A_172 = arith.addf %add3A_165, %dot_general3A_171 : vector<8x512xf32>
      %max3A_173 = arith.constant 0.000000e+00 : f32
      %max3A_174 = vector.broadcast %max3A_173 : f32 to vector<8x512xf32>
      %max3A_175 = arith.maximumf %add3A_172, %max3A_174 : vector<8x512xf32>
      %get3A_176 = arith.constant 0 : index
      %get3A_177 = arith.constant 0 : index
      %get3A_178 = vector.load %arg6[%get3A_176, %get3A_177] : memref<512x128xf32, #tpu.memory_space<vmem>>, vector<512x128xf32>
      %dot_general3A_179 = arith.constant dense<0.000000e+00> : vector<8x128xf32>
      %dot_general3A_180 = tpu.matmul %max3A_175, %get3A_178, %dot_general3A_179 {dimension_numbers = #tpu.dot_dimension_numbers<[1], [0], [0], [1], [0, 0, 1, 1], [], []>, transpose_lhs_hint = false} : vector<8x512xf32>, vector<512x128xf32>, vector<8x128xf32> -> vector<8x128xf32>
      %get3A_181 = arith.constant 0 : index
      %get3A_182 = arith.constant 0 : index
      %get3A_183 = vector.load %arg7[%get3A_181, %get3A_182] : memref<1x128xf32, #tpu.memory_space<vmem>>, vector<1x128xf32>
      %add3A_184 = vector.broadcast %get3A_183 : vector<1x128xf32> to vector<8x128xf32>
      %add3A_185 = arith.addf %dot_general3A_180, %add3A_184 : vector<8x128xf32>
      %swap3A_186 = arith.constant 0 : index
      %swap3A_187 = arith.constant 0 : index
      %swap3A_188 = vector.load %arg16[%swap3A_186, %swap3A_187] : memref<8x128xf32, #tpu.memory_space<vmem>>, vector<8x128xf32>
      tpu.vector_store %arg16[%swap3A_186, %swap3A_187], %add3A_185 {strides = array<i32>} : memref<8x128xf32, #tpu.memory_space<vmem>>, vector<8x128xf32>,
    } else {
    }
    %mul3A = arith.constant 4 : i32
    %mul3A_2 = arith.muli %mul3A, %arg0 : i32
    %add3A = arith.constant 0 : i32
    %add3A_3 = arith.addi %mul3A_2, %add3A : i32
    %get3A = arith.constant 0 : index
    %get3A_4 = arith.index_cast %add3A_3 : i32 to index
    %get3A_5 = arith.constant 0 : index
    %get3A_6 = vector.load %arg1[%get3A, %get3A_4, %get3A_5] : memref<512x64x128xf32, #tpu.memory_space<vmem>>, vector<512x1x128xf32>
    %reshape3A = vector.shape_cast %get3A_6 : vector<512x1x128xf32> to vector<512x128xf32>
    %mul3A_7 = arith.constant 4 : i32
    %mul3A_8 = arith.muli %mul3A_7, %arg0 : i32
    %add3A_9 = arith.constant 1 : i32
    %add3A_10 = arith.addi %mul3A_8, %add3A_9 : i32
    %get3A_11 = arith.constant 0 : index
    %get3A_12 = arith.index_cast %add3A_10 : i32 to index
    %get3A_13 = arith.constant 0 : index
    %get3A_14 = vector.load %arg1[%get3A_11, %get3A_12, %get3A_13] : memref<512x64x128xf32, #tpu.memory_space<vmem>>, vector<512x1x128xf32>
    %reshape3A_15 = vector.shape_cast %get3A_14 : vector<512x1x128xf32> to vector<512x128xf32>
    %mul3A_16 = arith.constant 4 : i32
    %mul3A_17 = arith.muli %mul3A_16, %arg0 : i32
    %add3A_18 = arith.constant 2 : i32
    %add3A_19 = arith.addi %mul3A_17, %add3A_18 : i32
    %get3A_20 = arith.constant 0 : index
    %get3A_21 = arith.index_cast %add3A_19 : i32 to index
    %get3A_22 = arith.constant 0 : index
    %get3A_23 = vector.load %arg1[%get3A_20, %get3A_21, %get3A_22] : memref<512x64x128xf32, #tpu.memory_space<vmem>>, vector<512x1x128xf32>
    %reshape3A_24 = vector.shape_cast %get3A_23 : vector<512x1x128xf32> to vector<512x128xf32>
    %mul3A_25 = arith.constant 4 : i32
    %mul3A_26 = arith.muli %mul3A_25, %arg0 : i32
    %add3A_27 = arith.constant 3 : i32
    %add3A_28 = arith.addi %mul3A_26, %add3A_27 : i32
    %get3A_29 = arith.constant 0 : index
    %get3A_30 = arith.index_cast %add3A_28 : i32 to index
    %get3A_31 = arith.constant 0 : index
    %get3A_32 = vector.load %arg1[%get3A_29, %get3A_30, %get3A_31] : memref<512x64x128xf32, #tpu.memory_space<vmem>>, vector<512x1x128xf32>
    %reshape3A_33 = vector.shape_cast %get3A_32 : vector<512x1x128xf32> to vector<512x128xf32>
    %concatenate3A = tpu.concatenate %reshape3A, %reshape3A_15, %reshape3A_24, %reshape3A_33 in 1 : vector<512x128xf32>, vector<512x128xf32>, vector<512x128xf32>, vector<512x128xf32> -> vector<512x512xf32>
    %get3A_34 = arith.constant 0 : index
    %get3A_35 = arith.constant 0 : index
    %get3A_36 = vector.load %arg8[%get3A_34, %get3A_35] : memref<512x512xf32, #tpu.memory_space<vmem>>, vector<512x512xf32>
    %dot_general3A = arith.constant dense<0.000000e+00> : vector<512x512xf32>
    %dot_general3A_37 = tpu.matmul %get3A_36, %concatenate3A, %dot_general3A {dimension_numbers = #tpu.dot_dimension_numbers<[0], [0], [1], [1], [0, 1, 1, 1], [], []>, transpose_lhs_hint = false} : vector<512x512xf32>, vector<512x512xf32>, vector<512x512xf32> -> vector<512x512xf32>
    %get3A_38 = arith.constant 0 : index
    %get3A_39 = arith.constant 0 : index
    %get3A_40 = vector.load %arg9[%get3A_38, %get3A_39] : memref<512x1xf32, #tpu.memory_space<vmem>>, vector<512x1xf32>
    %add3A_41 = vector.broadcast %get3A_40 : vector<512x1xf32> to vector<512x512xf32>
    %add3A_42 = arith.addf %dot_general3A_37, %add3A_41 : vector<512x512xf32>
    %max3A = arith.constant 0.000000e+00 : f32
    %max3A_43 = vector.broadcast %max3A : f32 to vector<512x512xf32>
    %max3A_44 = arith.maximumf %add3A_42, %max3A_43 : vector<512x512xf32>
    %get3A_45 = arith.constant 0 : index
    %get3A_46 = arith.constant 0 : index
    %get3A_47 = vector.load %arg10[%get3A_45, %get3A_46] : memref<512x128xf32, #tpu.memory_space<vmem>>, vector<512x128xf32>
    %dot_general3A_48 = arith.constant dense<0.000000e+00> : vector<512x128xf32>
    %dot_general3A_49 = tpu.matmul %max3A_44, %get3A_47, %dot_general3A_48 {dimension_numbers = #tpu.dot_dimension_numbers<[0], [0], [1], [1], [0, 1, 1, 1], [], []>, transpose_lhs_hint = false} : vector<512x512xf32>, vector<512x128xf32>, vector<512x128xf32> -> vector<512x128xf32>
    %get3A_50 = arith.constant 0 : index
    %get3A_51 = arith.constant 0 : index
    %get3A_52 = vector.load %arg11[%get3A_50, %get3A_51] : memref<1x128xf32, #tpu.memory_space<vmem>>, vector<1x128xf32>
    %add3A_53 = vector.broadcast %get3A_52 : vector<1x128xf32> to vector<512x128xf32>
    %add3A_54 = arith.addf %dot_general3A_49, %add3A_53 : vector<512x128xf32>
    %get3A_55 = arith.constant 0 : index
    %get3A_56 = arith.constant 0 : index
    %get3A_57 = vector.load %arg12[%get3A_55, %get3A_56] : memref<512x512xf32, #tpu.memory_space<vmem>>, vector<512x512xf32>
    %dot_general3A_58 = arith.constant dense<0.000000e+00> : vector<512x512xf32>
    %dot_general3A_59 = tpu.matmul %get3A_57, %concatenate3A, %dot_general3A_58 {dimension_numbers = #tpu.dot_dimension_numbers<[0], [0], [1], [1], [0, 1, 1, 1], [], []>, transpose_lhs_hint = false} : vector<512x512xf32>, vector<512x512xf32>, vector<512x512xf32> -> vector<512x512xf32>
    %get3A_60 = arith.constant 0 : index
    %get3A_61 = arith.constant 0 : index
    %get3A_62 = vector.load %arg13[%get3A_60, %get3A_61] : memref<512x1xf32, #tpu.memory_space<vmem>>, vector<512x1xf32>
    %add3A_63 = vector.broadcast %get3A_62 : vector<512x1xf32> to vector<512x512xf32>
    %add3A_64 = arith.addf %dot_general3A_59, %add3A_63 : vector<512x512xf32>
    %max3A_65 = arith.constant 0.000000e+00 : f32
    %max3A_66 = vector.broadcast %max3A_65 : f32 to vector<512x512xf32>
    %max3A_67 = arith.maximumf %add3A_64, %max3A_66 : vector<512x512xf32>
    %get3A_68 = arith.constant 0 : index
    %get3A_69 = arith.constant 0 : index
    %get3A_70 = vector.load %arg14[%get3A_68, %get3A_69] : memref<512x128xf32, #tpu.memory_space<vmem>>, vector<512x128xf32>
    %dot_general3A_71 = arith.constant dense<0.000000e+00> : vector<512x128xf32>
    %dot_general3A_72 = tpu.matmul %max3A_67, %get3A_70, %dot_general3A_71 {dimension_numbers = #tpu.dot_dimension_numbers<[0], [0], [1], [1], [0, 1, 1, 1], [], []>, transpose_lhs_hint = false} : vector<512x512xf32>, vector<512x128xf32>, vector<512x128xf32> -> vector<512x128xf32>
    %get3A_73 = arith.constant 0 : index
    %get3A_74 = arith.constant 0 : index
    %get3A_75 = vector.load %arg15[%get3A_73, %get3A_74] : memref<1x128xf32, #tpu.memory_space<vmem>>, vector<1x128xf32>
    %add3A_76 = vector.broadcast %get3A_75 : vector<1x128xf32> to vector<512x128xf32>
    %add3A_77 = arith.addf %dot_general3A_72, %add3A_76 : vector<512x128xf32>
    %swap3A = arith.constant 0 : index
    %swap3A_78 = arith.constant 0 : index
    %swap3A_79 = arith.constant 0 : index
    %swap3A_80 = vector.load %arg17[%swap3A, %swap3A_78, %swap3A_79] : memref<2x512x128xf32, #tpu.memory_space<vmem>>, vector<1x512x128xf32>
    %swap3A_81 = vector.shape_cast %swap3A_80 : vector<1x512x128xf32> to vector<512x128xf32>
    %swap3A_82 = vector.shape_cast %add3A_54 : vector<512x128xf32> to vector<1x512x128xf32>
    tpu.vector_store %arg17[%swap3A, %swap3A_78, %swap3A_79], %swap3A_82 {strides = array<i32>} : memref<2x512x128xf32, #tpu.memory_space<vmem>>, vector<1x512x128xf32>,
    %swap3A_83 = arith.constant 1 : index
    %swap3A_84 = arith.constant 0 : index
    %swap3A_85 = arith.constant 0 : index
    %swap3A_86 = vector.load %arg17[%swap3A_83, %swap3A_84, %swap3A_85] : memref<2x512x128xf32, #tpu.memory_space<vmem>>, vector<1x512x128xf32>
    %swap3A_87 = vector.shape_cast %swap3A_86 : vector<1x512x128xf32> to vector<512x128xf32>
    %swap3A_88 = vector.shape_cast %add3A_77 : vector<512x128xf32> to vector<1x512x128xf32>
    tpu.vector_store %arg17[%swap3A_83, %swap3A_84, %swap3A_85], %swap3A_88 {strides = array<i32>} : memref<2x512x128xf32, #tpu.memory_space<vmem>>, vector<1x512x128xf32>,
    %get3A_89 = arith.constant 0 : index
    %get3A_90 = arith.constant 0 : index
    %get3A_91 = vector.load %arg16[%get3A_89, %get3A_90] : memref<8x128xf32, #tpu.memory_space<vmem>>, vector<8x128xf32>
    %get3A_92 = arith.constant 0 : index
    %get3A_93 = arith.constant 0 : index
    %get3A_94 = vector.load %arg3[%get3A_92, %get3A_93] : memref<512x1xi32, #tpu.memory_space<vmem>>, vector<512x1xi32>
    %iota3A = tpu.iota {dimensions = array<i32: 1>} : vector<512x8xi32>
    %eq3A_95 = vector.broadcast %get3A_94 : vector<512x1xi32> to vector<512x8xi32>
    %eq3A_96 = arith.cmpi eq, %eq3A_95, %iota3A : vector<512x8xi32>
    %convert_element_type3A_97 = arith.extui %eq3A_96 : vector<512x8xi1> to vector<512x8xi32>
    %convert_element_type3A_98 = arith.sitofp %convert_element_type3A_97 : vector<512x8xi32> to vector<512x8xf32>
    %dot_general3A_99 = arith.constant dense<0.000000e+00> : vector<512x128xf32>
    %dot_general3A_100 = tpu.matmul %convert_element_type3A_98, %get3A_91, %dot_general3A_99 {dimension_numbers = #tpu.dot_dimension_numbers<[1], [0], [0], [1], [0, 0, 1, 1], [], []>, transpose_lhs_hint = false} : vector<512x8xf32>, vector<8x128xf32>, vector<512x128xf32> -> vector<512x128xf32>
    %mul3A_101 = arith.mulf %dot_general3A_100, %add3A_54 : vector<512x128xf32>
    %reduce_sum3A = arith.constant dense<0.000000e+00> : vector<512xf32>
    %reduce_sum3A_102 = vector.multi_reduction <add>, %mul3A_101, %reduce_sum3A [1] : vector<512x128xf32> to vector<512xf32>
    %broadcast_in_dim3A = vector.shape_cast %reduce_sum3A_102 : vector<512xf32> to vector<512x1xf32>
    %mul3A_103 = arith.mulf %dot_general3A_100, %add3A_77 : vector<512x128xf32>
    %reduce_sum3A_104 = arith.constant dense<0.000000e+00> : vector<512xf32>
    %reduce_sum3A_105 = vector.multi_reduction <add>, %mul3A_103, %reduce_sum3A_104 [1] : vector<512x128xf32> to vector<512xf32>
    %broadcast_in_dim3A_106 = vector.shape_cast %reduce_sum3A_105 : vector<512xf32> to vector<512x1xf32>
    %concatenate3A_107 = tpu.concatenate %broadcast_in_dim3A, %broadcast_in_dim3A_106 in 1 : vector<512x1xf32>, vector<512x1xf32> -> vector<512x2xf32>
    %swap3A_108 = arith.constant 0 : index
    %swap3A_109 = arith.constant 0 : index
    %swap3A_110 = vector.load %arg18[%swap3A_108, %swap3A_109] : memref<512x2xf32, #tpu.memory_space<vmem>>, vector<512x2xf32>
    tpu.vector_store %arg18[%swap3A_108, %swap3A_109], %concatenate3A_107 {strides = array<i32>} : memref<512x2xf32, #tpu.memory_space<vmem>>, vector<512x2xf32>,
    return
  }
  func.func @transform_0(%arg0: i32) -> (i32, i32, i32) {
    %c0_i32 = arith.constant 0 : i32
    %c0_i32_0 = arith.constant 0 : i32
    %c0_i32_1 = arith.constant 0 : i32
    %c0_i32_2 = arith.constant 0 : i32
    return %c0_i32, %c0_i32_0, %c0_i32_1 : i32, i32, i32
  }
  func.func @transform_1(%arg0: i32) -> (i32, i32) {
    %c0_i32 = arith.constant 0 : i32
    %c0_i32_0 = arith.constant 0 : i32
    %c0_i32_1 = arith.constant 0 : i32
    return %c0_i32, %c0_i32_0 : i32, i32
  }
  func.func @transform_2(%arg0: i32) -> (i32, i32) {
    %c0_i32 = arith.constant 0 : i32
    %c0_i32_0 = arith.constant 0 : i32
    return %arg0, %c0_i32 : i32, i32
  }
  func.func @transform_3(%arg0: i32) -> (i32, i32) {
    %c0_i32 = arith.constant 0 : i32
    %c0_i32_0 = arith.constant 0 : i32
    %c0_i32_1 = arith.constant 0 : i32
    return %c0_i32, %c0_i32_0 : i32, i32
  }
  func.func @transform_4(%arg0: i32) -> (i32, i32) {
    %c0_i32 = arith.constant 0 : i32
    %c0_i32_0 = arith.constant 0 : i32
    %c0_i32_1 = arith.constant 0 : i32
    return %c0_i32, %c0_i32_0 : i32, i32
  }
  func.func @transform_5(%arg0: i32) -> (i32, i32) {
    %c0_i32 = arith.constant 0 : i32
    %c0_i32_0 = arith.constant 0 : i32
    %c0_i32_1 = arith.constant 0 : i32
    return %c0_i32, %c0_i32_0 : i32, i32
  }
  func.func @transform_6(%arg0: i32) -> (i32, i32) {
    %c0_i32 = arith.constant 0 : i32
    %c0_i32_0 = arith.constant 0 : i32
    %c0_i32_1 = arith.constant 0 : i32
    return %c0_i32, %c0_i32_0 : i32, i32
  }
  func.func @transform_7(%arg0: i32) -> (i32, i32) {
    %c0_i32 = arith.constant 0 : i32
    %c0_i32_0 = arith.constant 0 : i32
    %c0_i32_1 = arith.constant 0 : i32
    return %c0_i32, %c0_i32_0 : i32, i32
  }
  func.func @transform_8(%arg0: i32) -> (i32, i32) {
    %c0_i32 = arith.constant 0 : i32
    %c0_i32_0 = arith.constant 0 : i32
    %c0_i32_1 = arith.constant 0 : i32
    return %c0_i32, %c0_i32_0 : i32, i32
  }
  func.func @transform_9(%arg0: i32) -> (i32, i32) {
    %c0_i32 = arith.constant 0 : i32
    %c0_i32_0 = arith.constant 0 : i32
    %c0_i32_1 = arith.constant 0 : i32
    return %c0_i32, %c0_i32_0 : i32, i32
  }
  func.func @transform_10(%arg0: i32) -> (i32, i32) {
    %c0_i32 = arith.constant 0 : i32
    %c0_i32_0 = arith.constant 0 : i32
    %c0_i32_1 = arith.constant 0 : i32
    return %c0_i32, %c0_i32_0 : i32, i32
  }
  func.func @transform_11(%arg0: i32) -> (i32, i32) {
    %c0_i32 = arith.constant 0 : i32
    %c0_i32_0 = arith.constant 0 : i32
    %c0_i32_1 = arith.constant 0 : i32
    return %c0_i32, %c0_i32_0 : i32, i32
  }
  func.func @transform_12(%arg0: i32) -> (i32, i32) {
    %c0_i32 = arith.constant 0 : i32
    %c0_i32_0 = arith.constant 0 : i32
    %c0_i32_1 = arith.constant 0 : i32
    return %c0_i32, %c0_i32_0 : i32, i32
  }
  func.func @transform_13(%arg0: i32) -> (i32, i32) {
    %c0_i32 = arith.constant 0 : i32
    %c0_i32_0 = arith.constant 0 : i32
    %c0_i32_1 = arith.constant 0 : i32
    return %c0_i32, %c0_i32_0 : i32, i32
  }
  func.func @transform_14(%arg0: i32) -> (i32, i32) {
    %c0_i32 = arith.constant 0 : i32
    %c0_i32_0 = arith.constant 0 : i32
    %c0_i32_1 = arith.constant 0 : i32
    return %c0_i32, %c0_i32_0 : i32, i32
  }
  func.func @transform_15(%arg0: i32) -> (i32, i32) {
    %c0_i32 = arith.constant 0 : i32
    %c0_i32_0 = arith.constant 0 : i32
    %c0_i32_1 = arith.constant 0 : i32
    return %c0_i32, %c0_i32_0 : i32, i32
  }
  func.func @transform_16(%arg0: i32) -> (i32, i32, i32) {
    %c0_i32 = arith.constant 0 : i32
    %c0_i32_0 = arith.constant 0 : i32
    %c0_i32_1 = arith.constant 0 : i32
    return %c0_i32, %arg0, %c0_i32_0 : i32, i32, i32
  }
  func.func @transform_17(%arg0: i32) -> (i32, i32) {
    %c0_i32 = arith.constant 0 : i32
    %c0_i32_0 = arith.constant 0 : i32
    return %arg0, %c0_i32 : i32, i32
  }
}

</mosaic_0001>

<sc_bundles>
// kernel: kernel.4.cloned.1.call-start
scs
__scs_entry_jumppad:
0x0: {  	(pc) =	sbr.rel $0x88, $3  }
0x1: {  	(tag) =	ssettag $0x0;
	lr =	simm.s32 $0x1  }
0x2: {  	[smem:$0x3F90] =	sst lr;
	_ =	strace $0xD0000000  }
0x3: {  	_ = 	snop  }
0x4: {  	_ = 	snop  }
0x5: {  	_ = 	snop  }
0x6: {  	_ = 	snop  }
0x7: {  	_ = 	snop  }
__scs_overlays_trampoline_lowered:
0x8: {  	[smem:$0x3F9F] =	sst s0  }
0x9: {  	[smem:$0x3FA0] =	sst s1  }
0xa: {  	[smem:$0x3FA1] =	sst s2  }
0xb: {  	[smem:$0x3FA2] =	sst s3  }
0xc: {  	[smem:$0x3FA3] =	sst s4  }
0xd: {  	[smem:$0x3FA4] =	sst s5  }
0xe: {  	[smem:$0x3FA5] =	sst s6  }
0xf: {  	[smem:$0x3FA6] =	sst s7  }
0x10: {  	[smem:$0x3FA7] =	sst s8  }
0x11: {  	[smem:$0x3FA8] =	sst s9;
	s0 =	simm.s32 @!p0 $0x0  }
0x12: {  	s1 =	sld [smem:$0x3F8E];
	s0 =	simm.s32 @p0 $0x1  }
0x13: {  	[smem:$0x3FA9] =	sst s0;
	s0 =	simm.s32 @!p1 $0x0  }
0x14: {  	s2 =	sld [smem:$0x3F8D];
	s0 =	simm.s32 @p1 $0x1  }
0x15: {  	[smem:$0x3FAA] =	sst s0;
	s0 =	simm.s32 @!p2 $0x0  }
0x16: {  	s3 =	sld [smem:$0x3FDB];
	s0 =	simm.s32 @p2 $0x1  }
0x17: {  	s4 =	simm.s32 $0x1BF5;
	[smem:$0x3FAC] =	sst s0  }
0x18: {  	s0 =	sld [smem:$0x3F8F];
	_ =	swait.ge [sflag:s4], $0x0  }
0x19: {  	s7 =	sld [smem:$0x3F90]  }
0x1a: {  	s8 =	sadd.s32 $0xFFFFE003, lr  }
0x1b: {  	s9 =	sadd.s32 $0xFFFFFEF7, lr;
	s5 =	simm.s32 $0xFFFFFFFF;
	p2 =	slt.u32 s8, $0xFFFFF086  }
0x1c: {  	p1 =	slt.u32 s9, $0xF7A;
	s5 =	simm.s32 @!p2 $0x0  }
0x1d: {  	s5 =	simm.s32 @p1 $0x1;
	p0 =	seq.s32 s7, s2  }
0x1e: {  	s7 =	smul.u32 @!p0 $0xF7A, s2;
	p2 =	seq.s32 @!p0 s5, $0x0  }
0x1f: {  	s9 =	smul.u32 $0xF7A, s1;
	s8 =	simm.s32 @!p0 $0x1BF5;
	p2 =	por !p2, p0  }
0x20: {  	[sflag:s8] =	ssyncset.s32 @!p0 $0xFFFFF086;
	s6 =	sadd.s32 @!p0 s3, s7;
	s7 =	simm.s32 @!p0 $0x108  }
0x21: {  	s3 =	sadd.s32 s3, s9;
	s6 =	sadd.s32 @!p0 $0x88, s6;
	s7 =	simm.s32 @p2 $0x1082  }
0x22: {  	[simem:s7], [sflag:s8] =	dma.local @!p0 [hbm:s6], $0xF7A  }
0x23: {  	s9 =	sor.u32 $0xD0000000, s2;
	s6 =	simm.s32 $0x108;
	_ =	swait.ge @!p0 [sflag:s8], $0x0  }
0x24: {  	s3 =	sadd.s32 $0x88, s3;
	s6 =	simm.s32 @!p1 $0x1082;
	[sflag:s4] =	ssyncset.s32 $0xFFFFF086  }
0x25: {  	[simem:s6], [sflag:s4] =	dma.local [hbm:s3], $0xF7A  }
0x26: {  	[smem:$0x3F90] =	sst s1;
	(tag) =	ssettag s2;
	_ =	strace s9  }
0x27: {  	s1 =	sld [smem:$0x3FA0]  }
0x28: {  	s2 =	sld [smem:$0x3FA1]  }
0x29: {  	s4 =	sld [smem:$0x3FA3]  }
0x2a: {  	p0 =	seq.s32 s5, $0x0;
	s5 =	sld [smem:$0x3FA4]  }
0x2b: {  	s6 =	sld [smem:$0x3FA5]  }
0x2c: {  	s7 =	sld [smem:$0x3FA6]  }
0x2d: {  	s3 =	simm.s32 $0x108;
	s8 =	sld [smem:$0x3FA7]  }
0x2e: {  	s3 =	simm.s32 @!p0 $0x1082;
	s9 =	sld [smem:$0x3FA8]  }
0x2f: {  	lr =	sadd.s32 s0, s3;
	s0 =	sld [smem:$0x3F9F]  }
0x30: {  	s3 =	sld [smem:$0x3FA2]  }
0x31: {  	[smem:$0x3FAB] =	sst s10  }
0x32: {  	s10 =	sld [smem:$0x3FA9];
	_ =	sdelay $0x3  }
0x33: {  	p0 =	seq.s32 s10, $0x1;
	s10 =	sld [smem:$0x3FAB];
	_ =	sdelay $0x3  }
0x34: {  	[smem:$0x3FAB] =	sst s10  }
0x35: {  	s10 =	sld [smem:$0x3FAA];
	_ =	sdelay $0x3  }
0x36: {  	p1 =	seq.s32 s10, $0x1;
	s10 =	sld [smem:$0x3FAB];
	_ =	sdelay $0x3  }
0x37: {  	[smem:$0x3FAB] =	sst s10  }
0x38: {  	s10 =	sld [smem:$0x3FAC]  }
0x39: {  	_ = 	snop;
	(pc) =	sbr.ind lr, $3  }
0x3a: {  	_ = 	snop  }
0x3b: {  	_ = 	snop  }
0x3c: {  	p2 =	seq.s32 s10, $0x1;
	s10 =	sld [smem:$0x3FAB]  }
0x3d: {  	_ =	shalt  }
0x3e: {  	_ =	shalt  }
0x3f: {  	_ =	shalt  }
0x40: {  	_ =	shalt  }
0x41: {  	_ =	shalt  }
0x42: {  	_ =	shalt  }
0x43: {  	_ =	shalt  }
0x44: {  	_ =	shalt  }
0x45: {  	_ =	shalt  }
0x46: {  	_ =	shalt  }
0x47: {  	_ =	shalt  }
0x48: {  	_ =	shalt  }
0x49: {  	_ =	shalt  }
0x4a: {  	_ =	shalt  }
0x4b: {  	_ =	shalt  }
0x4c: {  	_ =	shalt  }
0x4d: {  	_ =	shalt  }
0x4e: {  	_ =	shalt  }
0x4f: {  	_ =	shalt  }
0x50: {  	_ =	shalt  }
0x51: {  	_ =	shalt  }
0x52: {  	_ =	shalt  }
0x53: {  	_ =	shalt  }
0x54: {  	_ =	shalt  }
0x55: {  	_ =	shalt  }
0x56: {  	_ =	shalt  }
0x57: {  	_ =	shalt  }
0x58: {  	_ =	shalt  }
0x59: {  	_ =	shalt  }
0x5a: {  	_ =	shalt  }
0x5b: {  	_ =	shalt  }
0x5c: {  	_ =	shalt  }
0x5d: {  	_ =	shalt  }
0x5e: {  	_ =	shalt  }
0x5f: {  	_ =	shalt  }
0x60: {  	_ =	shalt  }
0x61: {  	_ =	shalt  }
0x62: {  	_ =	shalt  }
0x63: {  	_ =	shalt  }
0x64: {  	_ =	shalt  }
0x65: {  	_ =	shalt  }
0x66: {  	_ =	shalt  }
0x67: {  	_ =	shalt  }
0x68: {  	_ =	shalt  }
0x69: {  	_ =	shalt  }
0x6a: {  	_ =	shalt  }
0x6b: {  	_ =	shalt  }
0x6c: {  	_ =	shalt  }
0x6d: {  	_ =	shalt  }
0x6e: {  	_ =	shalt  }
0x6f: {  	_ =	shalt  }
0x70: {  	_ =	shalt  }
0x71: {  	_ =	shalt  }
0x72: {  	_ =	shalt  }
0x73: {  	_ =	shalt  }
0x74: {  	_ =	shalt  }
0x75: {  	_ =	shalt  }
0x76: {  	_ =	shalt  }
0x77: {  	_ =	shalt  }
0x78: {  	_ =	shalt  }
0x79: {  	_ =	shalt  }
0x7a: {  	_ =	shalt  }
0x7b: {  	_ =	shalt  }
0x7c: {  	_ =	shalt  }
0x7d: {  	_ =	shalt  }
0x7e: {  	_ =	shalt  }
0x7f: {  	_ =	shalt  }
0x80: {  	_ =	shalt  }
0x81: {  	_ =	shalt  }
0x82: {  	_ =	shalt  }
0x83: {  	_ =	shalt  }
0x84: {  	_ =	shalt  }
0x85: {  	_ =	shalt  }
0x86: {  	_ =	shalt  }
0x87: {  	_ =	shalt  }
.Lfunc_end0:
.L_simem_size_0:
called_computation_lowered:
.L_overlay_start_0:
0x88: {  	s2 =	sld [smem:$0x3FD9]  }
0x89: {  	s3 =	sld [smem:$0x3FFE];
	_ =	sdelay $0x1  }
0x8a: {  	s1 =	srdreg.scid  }
0x8b: {  	s0 =	sand.u32 $0x1, s1  }
0x8c: {  	s14 =	sshll.u32 s0, $0xA;
	s2 =	sadd.s32 s3, s2  }
0x8d: {  	s2 =	sadd.s32 s2, s14  }
0x8e: {  	[smem:$0x3FB7] =	sst s2  }
0x8f: {  	_ = 	snop  }
0x90: {  	s2 =	sld [smem:$0x3FD0];
	_ =	sdelay $0x1  }
0x91: {  	s15 =	sld [smem:$0x3FC6]  }
0x92: {  	s5 =	simm.s32 $0xA;
	s6 =	simm.s32 $0x10;
	s4 =	sld [smem:$0x3FC5]  }
0x93: {  	[smem:s6], [sflag:s5] =	dma.local [hbm:s2], $0x1  }
0x94: {  	_ =	swait.eq [sflag:s5], $0x1  }
0x95: {  	s16 =	sld [smem:$0x10];
	[sflag:s5] =	ssyncset.done $0x0  }
0x96: {  	s17 =	sld [smem:$0x11];
	[sflag:s5] =	ssyncadd.s32 $0xFFFFFFFF  }
0x97: {  	s18 =	sld [smem:$0x12];
	(tm) =	ssettm $0x1  }
0x98: {  	s7 =	sld [smem:$0x3FFB];
	_ =	sdelay $0x3  }
0x99: {  	_ =	strace s7  }
0x9a: {  	s7 =	sld [smem:$0x3FFC];
	_ =	sdelay $0x3  }
0x9b: {  	_ =	strace s7  }
0x9c: {  	s7 =	sld [smem:$0x3FFD];
	_ =	sdelay $0x3  }
0x9d: {  	_ =	strace s7  }
0x9e: {  	_ =	strace $0x8FFFFFFF  }
0x9f: {  	s19 =	sld [smem:$0x3FDB];
	_ =	sdelay $0x1  }
0xa0: {  	s8 =	simm.s32 $_scs_section_size  }
0xa1: {  	s9 =	simm.s32 $_size__tile_overlayer_lowered;
	s10 =	simm.s32 $_tile_overlayer_lowered  }
0xa2: {  	s22 =	simm.s32 $0x1BFF;
	s21 =	sshll.u32 s10, $0x1;
	s7 =	sadd.s32 s8, s19  }
0xa3: {  	s11 =	simm.s32 $0x0;
	s20 =	sshll.u32 s9, $0x1;
	s9 =	sadd.s32 s21, s7  }
0xa4: {  	[timem:s11], [sflag:s22] =	dma.local [hbm:s9], s20  }
0xa5: {  	_ =	swait.ge [sflag:s22], s20  }
0xa6: {  	s8 =	ssub.s32 $0x0, s20;
	[sflag:s22] =	ssyncset.done $0x0  }
0xa7: {  	[sflag:s22] =	ssyncadd.s32 s8;
	_ =	sdelay $0x1  }
0xa8: {  	s23 =	simm.s32 $0x1B8B  }
0xa9: {  	_ =	swait.ge [sflag:s23], $0x1  }
0xaa: {  	[sflag:s23] =	ssyncset.done $0x0  }
0xab: {  	s25 =	simm.s32 $0x1B8E;
	s24 =	sld [smem:$0x3FFE];
	[sflag:s23] =	ssyncadd.s32 $0xFFFFFFFF  }
0xac: {  	s26 =	simm.s32 $execute0_lowered;
	[smem:$0x3FD2] =	sst s25  }
0xad: {  	s9 =	sshll.u32 s26, $0x1;
	_ =	strace $0x80000046;
	[dreg:$0x1] =	wrdreg $0xFFFFFFFF  }
0xae: {  	s28 =	simm.s32 $_size_execute0_lowered;
	s7 =	sadd.s32 s7, s9;
	[dreg:$0x0] =	wrdreg $0x0  }
0xaf: {  	s9 =	sshll.u32 s28, $0x1;
	[dreg:$0x2] =	wrdreg s7  }
0xb0: {  	[dreg:$0x3] =	wrdreg s9  }
0xb1: {  	[dreg:$0x4] =	wrdreg $0xC0  }
0xb2: {  	_ =	task [dreg:s11], $0x5FFFF  }
0xb3: {  	[dreg:$0x1] =	wrdreg $0xFFFFFFFF  }
0xb4: {  	[dreg:$0x0] =	wrdreg $0x60  }
0xb5: {  	[dreg:$0x2] =	wrdreg s4  }
0xb6: {  	[dreg:$0x3] =	wrdreg s17  }
0xb7: {  	[dreg:$0x4] =	wrdreg s15  }
0xb8: {  	[dreg:$0x5] =	wrdreg s16  }
0xb9: {  	[dreg:$0x6] =	wrdreg s24  }
0xba: {  	[dreg:$0x7] =	wrdreg s18  }
0xbb: {  	[dreg:$0x8] =	wrdreg $0x9  }
0xbc: {  	_ =	task.clear_ibuf [dreg:s11], $0x9FFFF;
	_ =	strace $0x90000046  }
0xbd: {  	s29 =	simm.s32 $0x9;
	_ =	strace $0x80000048  }
0xbe: {  	_ =	swait.ge [sflag:s29], $0x1  }
0xbf: {  	[sflag:s29] =	ssyncadd.s32 $0xFFFFFFFF  }
0xc0: {  	_ =	strace $0x90000048  }
0xc1: {  	_ =	sfence  }
0xc2: {  	s30 =	sld [smem:$0x0];
	_ =	sdelay $0x2  }
0xc3: {  	s31 =	sshll.u32 s1, $0xD;
	s1 =	sshrl.u32 s1, $0x2  }
0xc4: {  	s3 =	sand.u32 $0x4000, s31;
	s1 =	sadd.s32 s1, s30  }
0xc5: {  	s0 =	sor.u32 s3, s0;
	s1 =	sshll.u32 s1, $0x11  }
0xc6: {  	s0 =	sor.u32 s1, s0  }
0xc7: {  	s0 =	sadd.s32 $0x8F2B, s0  }
0xc8: {  	[sflag:s0] =	ssyncadd.remote.s32 $0x1  }
0xc9: {  	_ =	sfence.sel $0xFFFF  }
0xca: {  	[dreg:$0x0] =	wrdreg $0xFFFFFFFF;
	(pc) =	sbr.abs _section_cstart, $3  }
0xcb: {  	[dreg:$0x1] =	wrdreg $0xFFFFFFFF  }
0xcc: {  	_ =	task.clear_ibuf [dreg:s11], $0x2FFFF;
	_ =	strace $0x9FFFFFFF  }
0xcd: {  	(tm) =	ssettm $0x7FFFFFFF  }
tec
execute0_lowered:
.L_overlay_start_1:
0x0: {  	(tag) =	ssettag $0x1  }
0x1: {  	s1 =	rddreg [dreg:$0x0]  }
0x2: {  	s0 =	rddreg [dreg:$0x1]  }
0x3: {  	s2 =	rddreg [dreg:$0x2]  }
0x4: {  	s3 =	rddreg [dreg:$0x4]  }
0x5: {  	s4 =	srdreg.scid;
	s9 =	stileid.u32  }
0x6: {  	s5 =	rddreg [dreg:$0x5];
	s6 =	sand.u32 $0x1, s4;
	s7 =	sshll.u32 s9, $0x1  }
0x7: {  	s4 =	simm.s32 $0x0;
	s21 =	sshrl.u32 s9, $0x1;
	s3 =	sadd.s32 $0x2400, s3  }
0x8: {  	s9 =	sadd.s32 $0x800, s0;
	s8 =	sor.u32 s6, s7;
	[smem:$0x7FF] =	sst s4  }
0x9: {  	s10 =	smul.u32 $0xC3800, s21;
	s6 =	ssub.s32 $0x2, s6;
	s21 =	sadd.s32 $0x1800, s0  }
0xa: {  	s22 =	sshll.u32 s8, $0x8;
	_ =	strace $0x80000047;
	s23 =	sshrl.u32 s6, $0x1  }
0xb: {  	s24 =	sshll.u32 s8, $0xB;
	s16 =	sshllo.u32 s8, $0x1;
	s20 =	sshll.u32 s8, $0x4  }
0xc: {  	s8 =	simm.s32 $0x2;
	s7 =	sand.u32 $0x300, s22;
	s12 =	ssub.s32 s6, s23  }
0xd: {  	s6 =	sadd.s32 s3, s24;
	s15 =	sshll.u32 s16, $0x7;
	s26 =	sshll.u32 s16, $0xA  }
0xe: {  	s24 =	sshll.u32 s16, $0x3;
	s16 =	simm.s32 $0x1A700;
	s7 =	sor.u32 s10, s7  }
0xf: {  	s25 =	sadd.s32 $0x10000, s6;
	s11 =	sadd.s32 $0x20000, s6;
	s13 =	sadd.s32 $0x30000, s6  }
0x10: {  	s15 =	sand.u32 $0x380, s15;
	s17 =	sadd.s32 $0x40000, s6;
	s3 =	sadd.s32 s3, s26  }
0x11: {  	s18 =	sadd.s32 $0x50000, s6;
	s26 =	sadd.s32 $0x60000, s6;
	[dreg:$0x8] =	wrdreg s25  }
0x12: {  	s28 =	sadd.s32 $0x70000, s6;
	s29 =	sadd.s32 $0x10400, s6;
	[dreg:$0x9] =	wrdreg s11  }
0x13: {  	s30 =	sadd.s32 $0x20400, s6;
	s31 =	sadd.s32 $0x30400, s6;
	[dreg:$0xa] =	wrdreg s13  }
0x14: {  	s14 =	sshrl.u32 s7, $0x3;
	s11 =	sadd.s32 $0xC00, s0;
	[dreg:$0xb] =	wrdreg s17  }
0x15: {  	s13 =	sadd.s32 $0x1000, s0;
	s10 =	sor.u32 s10, s15;
	[dreg:$0xc] =	wrdreg s3  }
0x16: {  	s15 =	sadd.s32 $0x1400, s0;
	[dreg:$0xd] =	wrdreg s18;
	s25 =	sadd.s32 s5, s20  }
0x17: {  	[dreg:$0x13] =	wrdreg s26;
	s26 =	sadd.s32 $0x1C00, s0;
	s3 =	sadd.s32 $0x60400, s6  }
0x18: {  	s17 =	simm.s32 $0x1C700;
	s18 =	simm.s32 $0x1;
	s20 =	simm.s32 $0x0  }
0x19: {  	s7 =	sadd.s32 s1, s14;
	s19 =	sadd.s32 s2, s14;
	s22 =	sshrl.u32 s10, $0x3  }
0x1a: {  	[dreg:$0x11] =	wrdreg s25;
	s25 =	smax.u32 s12, $0x1;
	s10 =	simm.s32 $0x80  }
0x1b: {  	s12 =	simm.s32 $0x400;
	s14 =	simm.s32 $0x18700;
	[dreg:$0x7] =	wrdreg s7  }
0x1c: {  	s7 =	sadd.s32 $0x400, s0;
	[dreg:$0xe] =	wrdreg s19;
	s1 =	sadd.s32 s1, s22  }
0x1d: {  	s23 =	sadd.s32 s2, s22;
	s2 =	sadd.s32 $0x50400, s6;
	[dreg:$0xf] =	wrdreg s1  }
0x1e: {  	s19 =	simm.s32 $0x1E780;
	[dreg:$0x10] =	wrdreg s23;
	s1 =	sadd.s32 s5, s24  }
0x1f: {  	s5 =	sadd.s32 $0x70400, s6;
	[dreg:$0x12] =	wrdreg s1;
	s1 =	sadd.s32 $0x40400, s6  }
.LBB2_1:
0x20: {  	s22 =	rddreg [dreg:$0x3];
	s23 =	simm.s32 $0x1E700  }
0x21: {  	[tilespmem:s23], [sflag:$0x2] =	stream.linear.gather [hbm4b:s22+s4], $0x80, $0x38;
	[tilespmem:$0x1E800] =	vst v63  }
0x22: {  	_ =	swait.ge [sflag:s8], $0x80  }
0x23: {  	[sflag:s8] =	ssyncset.done $0x0  }
0x24: {  	s24 =	rddreg [dreg:$0x7];
	[sflag:s8] =	ssyncadd.s32 $0xFFFFFF80  }
0x25: {  	[tilespmem:s4], [sflag:$0x2] =	stream.strided.gather [hbm4b:s24+s10], $0x18700, s12, s10, $0x38;
	[tilespmem:$0x1E800] =	vst v63  }
0x26: {  	_ =	swait.ge [sflag:s8], $0x18700  }
0x27: {  	[sflag:s8] =	ssyncset.done $0x0  }
0x28: {  	[sflag:s8] =	ssyncadd.s32 $0xFFFE7900  }
0x29: {  	[tilespmem:s14], [sflag:$0x2] =	stream.linear.gather [hbm4b:s0+s4], $0x2000, $0x38;
	[tilespmem:$0x1E800] =	vst v63  }
0x2a: {  	_ =	swait.ge [sflag:s8], $0x2000  }
0x2b: {  	[sflag:s8] =	ssyncset.done $0x0  }
0x2c: {  	s22 =	simm.s32 $0x0;
	[sflag:s8] =	ssyncadd.s32 $0xFFFFE000  }
0x2d: {  	v0 =	vld [tilespmem:s22+$0x18700];
	_ =	sdelay $0x7  }
0x2e: {  	s23 =	simm.s32 $0x10;
	s24 =	simm.s32 $0x80;
	v0 =	vld.idx.msk [tilespmem:v0+s4+$0x0], $0xffff  }
.LBB2_2:
0x2f: {  	p0 =	sne.s32 s24, $0x7FC0;
	v1 =	vld [tilespmem:s23+$0x18700];
	_ =	sdelay $0x3  }
.Ltmp0:
0x30: {  	(pc) =	sbr.rel @p0 .LBB2_2-.Ltmp0, $2  }
0x31: {  	[tilespmem:s22+$0x1A700] =	vst v0;
	s22 =	smov.u32 s23;
	_ =	sdelay $0x2  }
0x32: {  	s23 =	sshra.s32 s24, $0x2;
	s24 =	sadd.s32 $0x40, s24;
	v0 =	vld.idx.msk [tilespmem:v1+s4+$0x0], $0xffff  }
0x33: {  	v1 =	vld [tilespmem:s23+$0x18700];
	_ =	sdelay $0x6  }
0x34: {  	[tilespmem:s22+$0x1A700] =	vst v0  }
0x35: {  	v0 =	vld.idx.msk [tilespmem:v1+s4+$0x0], $0xffff;
	_ =	sdelay $0x4  }
0x36: {  	s24 =	simm.s32 $0x0;
	[tilespmem:s23+$0x1A700] =	vst v0  }
0x37: {  	[hbm4b:s6+s24] =	stream.linear.scatter [tilespmem:s16], [sflag:$0x1], $0x2000, $0x38;
	[tilespmem:$0x1E800] =	vst v63  }
0x38: {  	_ = 	snop  }
0x39: {  	[tilespmem:s14], [sflag:$0x2] =	stream.linear.gather [hbm4b:s7+s24], $0x2000, $0x38;
	[tilespmem:$0x1E800] =	vst v63  }
0x3a: {  	_ =	swait.ge [sflag:s8], $0x2000  }
0x3b: {  	[sflag:s8] =	ssyncset.done $0x0  }
0x3c: {  	s22 =	simm.s32 $0x0;
	[sflag:s8] =	ssyncadd.s32 $0xFFFFE000  }
0x3d: {  	v0 =	vld [tilespmem:s22+$0x18700];
	_ =	sdelay $0x7  }
0x3e: {  	s23 =	simm.s32 $0x10;
	s24 =	simm.s32 $0x80;
	v0 =	vld.idx.msk [tilespmem:v0+s4+$0x0], $0xffff  }
.LBB2_4:
0x3f: {  	p0 =	sne.s32 s24, $0x7FC0;
	v1 =	vld [tilespmem:s23+$0x18700];
	_ =	sdelay $0x3  }
.Ltmp1:
0x40: {  	(pc) =	sbr.rel @p0 .LBB2_4-.Ltmp1, $2  }
0x41: {  	[tilespmem:s22+$0x1C700] =	vst v0;
	s22 =	smov.u32 s23;
	_ =	sdelay $0x2  }
0x42: {  	s23 =	sshra.s32 s24, $0x2;
	s24 =	sadd.s32 $0x40, s24;
	v0 =	vld.idx.msk [tilespmem:v1+s4+$0x0], $0xffff  }
0x43: {  	v1 =	vld [tilespmem:s23+$0x18700];
	_ =	sdelay $0x6  }
0x44: {  	[tilespmem:s22+$0x1C700] =	vst v0  }
0x45: {  	v0 =	vld.idx.msk [tilespmem:v1+s4+$0x0], $0xffff;
	_ =	sdelay $0x4  }
0x46: {  	s24 =	rddreg [dreg:$0x8];
	s22 =	simm.s32 $0x0;
	[tilespmem:s23+$0x1C700] =	vst v0  }
0x47: {  	[hbm4b:s24+s22] =	stream.linear.scatter [tilespmem:s17], [sflag:$0x1], $0x2000, $0x38;
	[tilespmem:$0x1E800] =	vst v63  }
0x48: {  	_ = 	snop  }
0x49: {  	[tilespmem:s14], [sflag:$0x2] =	stream.linear.gather [hbm4b:s9+s22], $0x2000, $0x38;
	[tilespmem:$0x1E800] =	vst v63  }
0x4a: {  	_ =	swait.ge [sflag:s8], $0x2000  }
0x4b: {  	[sflag:s8] =	ssyncset.done $0x0  }
0x4c: {  	[sflag:s8] =	ssyncadd.s32 $0xFFFFE000  }
0x4d: {  	_ =	swait.ge [sflag:s18], $0x2000  }
0x4e: {  	[sflag:s18] =	ssyncset.done $0x0  }
0x4f: {  	s22 =	simm.s32 $0x0;
	[sflag:s18] =	ssyncadd.s32 $0xFFFFE000  }
0x50: {  	v0 =	vld [tilespmem:s22+$0x18700];
	_ =	sdelay $0x7  }
0x51: {  	s23 =	simm.s32 $0x10;
	s24 =	simm.s32 $0x80;
	v0 =	vld.idx.msk [tilespmem:v0+s4+$0x0], $0xffff  }
.LBB2_6:
0x52: {  	p0 =	sne.s32 s24, $0x7FC0;
	v1 =	vld [tilespmem:s23+$0x18700];
	_ =	sdelay $0x3  }
.Ltmp2:
0x53: {  	(pc) =	sbr.rel @p0 .LBB2_6-.Ltmp2, $2  }
0x54: {  	[tilespmem:s22+$0x1A700] =	vst v0;
	s22 =	smov.u32 s23;
	_ =	sdelay $0x2  }
0x55: {  	s23 =	sshra.s32 s24, $0x2;
	s24 =	sadd.s32 $0x40, s24;
	v0 =	vld.idx.msk [tilespmem:v1+s4+$0x0], $0xffff  }
0x56: {  	v1 =	vld [tilespmem:s23+$0x18700];
	_ =	sdelay $0x6  }
0x57: {  	[tilespmem:s22+$0x1A700] =	vst v0  }
0x58: {  	v0 =	vld.idx.msk [tilespmem:v1+s4+$0x0], $0xffff;
	_ =	sdelay $0x4  }
0x59: {  	s24 =	rddreg [dreg:$0x9];
	s22 =	simm.s32 $0x0;
	[tilespmem:s23+$0x1A700] =	vst v0  }
0x5a: {  	[hbm4b:s24+s22] =	stream.linear.scatter [tilespmem:s16], [sflag:$0x1], $0x2000, $0x38;
	[tilespmem:$0x1E800] =	vst v63  }
0x5b: {  	_ = 	snop  }
0x5c: {  	[tilespmem:s14], [sflag:$0x2] =	stream.linear.gather [hbm4b:s11+s22], $0x2000, $0x38;
	[tilespmem:$0x1E800] =	vst v63  }
0x5d: {  	_ =	swait.ge [sflag:s8], $0x2000  }
0x5e: {  	[sflag:s8] =	ssyncset.done $0x0  }
0x5f: {  	[sflag:s8] =	ssyncadd.s32 $0xFFFFE000  }
0x60: {  	_ =	swait.ge [sflag:s18], $0x2000  }
0x61: {  	[sflag:s18] =	ssyncset.done $0x0  }
0x62: {  	s22 =	simm.s32 $0x0;
	[sflag:s18] =	ssyncadd.s32 $0xFFFFE000  }
0x63: {  	v0 =	vld [tilespmem:s22+$0x18700];
	_ =	sdelay $0x7  }
0x64: {  	s23 =	simm.s32 $0x10;
	s24 =	simm.s32 $0x80;
	v0 =	vld.idx.msk [tilespmem:v0+s4+$0x0], $0xffff  }
.LBB2_8:
0x65: {  	p0 =	sne.s32 s24, $0x7FC0;
	v1 =	vld [tilespmem:s23+$0x18700];
	_ =	sdelay $0x3  }
.Ltmp3:
0x66: {  	(pc) =	sbr.rel @p0 .LBB2_8-.Ltmp3, $2  }
0x67: {  	[tilespmem:s22+$0x1C700] =	vst v0;
	s22 =	smov.u32 s23;
	_ =	sdelay $0x2  }
0x68: {  	s23 =	sshra.s32 s24, $0x2;
	s24 =	sadd.s32 $0x40, s24;
	v0 =	vld.idx.msk [tilespmem:v1+s4+$0x0], $0xffff  }
0x69: {  	v1 =	vld [tilespmem:s23+$0x18700];
	_ =	sdelay $0x6  }
0x6a: {  	[tilespmem:s22+$0x1C700] =	vst v0  }
0x6b: {  	v0 =	vld.idx.msk [tilespmem:v1+s4+$0x0], $0xffff;
	_ =	sdelay $0x4  }
0x6c: {  	s24 =	rddreg [dreg:$0xa];
	s22 =	simm.s32 $0x0;
	[tilespmem:s23+$0x1C700] =	vst v0  }
0x6d: {  	[hbm4b:s24+s22] =	stream.linear.scatter [tilespmem:s17], [sflag:$0x1], $0x2000, $0x38;
	[tilespmem:$0x1E800] =	vst v63  }
0x6e: {  	_ = 	snop  }
0x6f: {  	[tilespmem:s14], [sflag:$0x2] =	stream.linear.gather [hbm4b:s13+s22], $0x2000, $0x38;
	[tilespmem:$0x1E800] =	vst v63  }
0x70: {  	_ =	swait.ge [sflag:s8], $0x2000  }
0x71: {  	[sflag:s8] =	ssyncset.done $0x0  }
0x72: {  	[sflag:s8] =	ssyncadd.s32 $0xFFFFE000  }
0x73: {  	_ =	swait.ge [sflag:s18], $0x2000  }
0x74: {  	[sflag:s18] =	ssyncset.done $0x0  }
0x75: {  	s22 =	simm.s32 $0x0;
	[sflag:s18] =	ssyncadd.s32 $0xFFFFE000  }
0x76: {  	v0 =	vld [tilespmem:s22+$0x18700];
	_ =	sdelay $0x7  }
0x77: {  	s23 =	simm.s32 $0x10;
	s24 =	simm.s32 $0x80;
	v0 =	vld.idx.msk [tilespmem:v0+s4+$0x0], $0xffff  }
.LBB2_10:
0x78: {  	p0 =	sne.s32 s24, $0x7FC0;
	v1 =	vld [tilespmem:s23+$0x18700];
	_ =	sdelay $0x3  }
.Ltmp4:
0x79: {  	(pc) =	sbr.rel @p0 .LBB2_10-.Ltmp4, $2  }
0x7a: {  	[tilespmem:s22+$0x1A700] =	vst v0;
	s22 =	smov.u32 s23;
	_ =	sdelay $0x2  }
0x7b: {  	s23 =	sshra.s32 s24, $0x2;
	s24 =	sadd.s32 $0x40, s24;
	v0 =	vld.idx.msk [tilespmem:v1+s4+$0x0], $0xffff  }
0x7c: {  	v1 =	vld [tilespmem:s23+$0x18700];
	_ =	sdelay $0x6  }
0x7d: {  	[tilespmem:s22+$0x1A700] =	vst v0  }
0x7e: {  	v0 =	vld.idx.msk [tilespmem:v1+s4+$0x0], $0xffff;
	_ =	sdelay $0x4  }
0x7f: {  	s24 =	rddreg [dreg:$0xb];
	s22 =	simm.s32 $0x0;
	[tilespmem:s23+$0x1A700] =	vst v0  }
0x80: {  	[hbm4b:s24+s22] =	stream.linear.scatter [tilespmem:s16], [sflag:$0x1], $0x2000, $0x38;
	[tilespmem:$0x1E800] =	vst v63  }
0x81: {  	_ = 	snop  }
0x82: {  	[tilespmem:s14], [sflag:$0x2] =	stream.linear.gather [hbm4b:s15+s22], $0x2000, $0x38;
	[tilespmem:$0x1E800] =	vst v63  }
0x83: {  	_ =	swait.ge [sflag:s8], $0x2000  }
0x84: {  	[sflag:s8] =	ssyncset.done $0x0  }
0x85: {  	[sflag:s8] =	ssyncadd.s32 $0xFFFFE000  }
0x86: {  	_ =	swait.ge [sflag:s18], $0x2000  }
0x87: {  	[sflag:s18] =	ssyncset.done $0x0  }
0x88: {  	s22 =	simm.s32 $0x0;
	[sflag:s18] =	ssyncadd.s32 $0xFFFFE000  }
0x89: {  	v0 =	vld [tilespmem:s22+$0x18700];
	_ =	sdelay $0x7  }
0x8a: {  	s23 =	simm.s32 $0x10;
	s24 =	simm.s32 $0x80;
	v0 =	vld.idx.msk [tilespmem:v0+s4+$0x0], $0xffff  }
.LBB2_12:
0x8b: {  	p0 =	sne.s32 s24, $0x7FC0;
	v1 =	vld [tilespmem:s23+$0x18700];
	_ =	sdelay $0x3  }
.Ltmp5:
0x8c: {  	(pc) =	sbr.rel @p0 .LBB2_12-.Ltmp5, $2  }
0x8d: {  	[tilespmem:s22+$0x1C700] =	vst v0;
	s22 =	smov.u32 s23;
	_ =	sdelay $0x2  }
0x8e: {  	s23 =	sshra.s32 s24, $0x2;
	s24 =	sadd.s32 $0x40, s24;
	v0 =	vld.idx.msk [tilespmem:v1+s4+$0x0], $0xffff  }
0x8f: {  	v1 =	vld [tilespmem:s23+$0x18700];
	_ =	sdelay $0x6  }
0x90: {  	[tilespmem:s22+$0x1C700] =	vst v0  }
0x91: {  	v0 =	vld.idx.msk [tilespmem:v1+s4+$0x0], $0xffff;
	_ =	sdelay $0x4  }
0x92: {  	s24 =	rddreg [dreg:$0xd];
	s22 =	simm.s32 $0x0;
	[tilespmem:s23+$0x1C700] =	vst v0  }
0x93: {  	[hbm4b:s24+s22] =	stream.linear.scatter [tilespmem:s17], [sflag:$0x1], $0x2000, $0x38;
	[tilespmem:$0x1E800] =	vst v63  }
0x94: {  	_ = 	snop  }
0x95: {  	[tilespmem:s14], [sflag:$0x2] =	stream.linear.gather [hbm4b:s21+s22], $0x2000, $0x38;
	[tilespmem:$0x1E800] =	vst v63  }
0x96: {  	_ =	swait.ge [sflag:s8], $0x2000  }
0x97: {  	[sflag:s8] =	ssyncset.done $0x0  }
0x98: {  	[sflag:s8] =	ssyncadd.s32 $0xFFFFE000  }
0x99: {  	_ =	swait.ge [sflag:s18], $0x2000  }
0x9a: {  	[sflag:s18] =	ssyncset.done $0x0  }
0x9b: {  	s22 =	simm.s32 $0x0;
	[sflag:s18] =	ssyncadd.s32 $0xFFFFE000  }
0x9c: {  	v0 =	vld [tilespmem:s22+$0x18700];
	_ =	sdelay $0x7  }
0x9d: {  	s23 =	simm.s32 $0x10;
	s24 =	simm.s32 $0x80;
	v0 =	vld.idx.msk [tilespmem:v0+s4+$0x0], $0xffff  }
.LBB2_14:
0x9e: {  	p0 =	sne.s32 s24, $0x7FC0;
	v1 =	vld [tilespmem:s23+$0x18700];
	_ =	sdelay $0x3  }
.Ltmp6:
0x9f: {  	(pc) =	sbr.rel @p0 .LBB2_14-.Ltmp6, $2  }
0xa0: {  	[tilespmem:s22+$0x1A700] =	vst v0;
	s22 =	smov.u32 s23;
	_ =	sdelay $0x2  }
0xa1: {  	s23 =	sshra.s32 s24, $0x2;
	s24 =	sadd.s32 $0x40, s24;
	v0 =	vld.idx.msk [tilespmem:v1+s4+$0x0], $0xffff  }
0xa2: {  	v1 =	vld [tilespmem:s23+$0x18700];
	_ =	sdelay $0x6  }
0xa3: {  	[tilespmem:s22+$0x1A700] =	vst v0  }
0xa4: {  	v0 =	vld.idx.msk [tilespmem:v1+s4+$0x0], $0xffff;
	_ =	sdelay $0x4  }
0xa5: {  	s24 =	rddreg [dreg:$0x13];
	s22 =	simm.s32 $0x0;
	[tilespmem:s23+$0x1A700] =	vst v0  }
0xa6: {  	[hbm4b:s24+s22] =	stream.linear.scatter [tilespmem:s16], [sflag:$0x1], $0x2000, $0x38;
	[tilespmem:$0x1E800] =	vst v63  }
0xa7: {  	_ = 	snop  }
0xa8: {  	[tilespmem:s14], [sflag:$0x2] =	stream.linear.gather [hbm4b:s26+s22], $0x2000, $0x38;
	[tilespmem:$0x1E800] =	vst v63  }
0xa9: {  	_ =	swait.ge [sflag:s8], $0x2000  }
0xaa: {  	[sflag:s8] =	ssyncset.done $0x0  }
0xab: {  	[sflag:s8] =	ssyncadd.s32 $0xFFFFE000  }
0xac: {  	_ =	swait.ge [sflag:s18], $0x2000  }
0xad: {  	[sflag:s18] =	ssyncset.done $0x0  }
0xae: {  	s22 =	simm.s32 $0x0;
	[sflag:s18] =	ssyncadd.s32 $0xFFFFE000  }
0xaf: {  	v0 =	vld [tilespmem:s22+$0x18700];
	_ =	sdelay $0x7  }
0xb0: {  	s23 =	simm.s32 $0x10;
	s24 =	simm.s32 $0x80;
	v0 =	vld.idx.msk [tilespmem:v0+s4+$0x0], $0xffff  }
.LBB2_16:
0xb1: {  	p0 =	sne.s32 s24, $0x7FC0;
	v1 =	vld [tilespmem:s23+$0x18700];
	_ =	sdelay $0x3  }
.Ltmp7:
0xb2: {  	(pc) =	sbr.rel @p0 .LBB2_16-.Ltmp7, $2  }
0xb3: {  	[tilespmem:s22+$0x1C700] =	vst v0;
	s22 =	smov.u32 s23;
	_ =	sdelay $0x2  }
0xb4: {  	s23 =	sshra.s32 s24, $0x2;
	s24 =	sadd.s32 $0x40, s24;
	v0 =	vld.idx.msk [tilespmem:v1+s4+$0x0], $0xffff  }
0xb5: {  	v1 =	vld [tilespmem:s23+$0x18700];
	_ =	sdelay $0x6  }
0xb6: {  	[tilespmem:s22+$0x1C700] =	vst v0  }
0xb7: {  	v0 =	vld.idx.msk [tilespmem:v1+s4+$0x0], $0xffff;
	_ =	sdelay $0x4  }
0xb8: {  	s22 =	simm.s32 $0x0;
	[tilespmem:s23+$0x1C700] =	vst v0  }
0xb9: {  	[hbm4b:s28+s22] =	stream.linear.scatter [tilespmem:s17], [sflag:$0x1], $0x2000, $0x38;
	[tilespmem:$0x1E800] =	vst v63  }
0xba: {  	_ =	swait.ge [sflag:s18], $0x2000  }
0xbb: {  	[sflag:s18] =	ssyncset.done $0x0  }
0xbc: {  	[sflag:s18] =	ssyncadd.s32 $0xFFFFE000  }
0xbd: {  	_ =	swait.ge [sflag:s18], $0x2000  }
0xbe: {  	[sflag:s18] =	ssyncset.done $0x0  }
0xbf: {  	s24 =	rddreg [dreg:$0xe];
	[sflag:s18] =	ssyncadd.s32 $0xFFFFE000  }
0xc0: {  	[tilespmem:s22], [sflag:$0x2] =	stream.strided.gather [hbm4b:s24+s10], $0x18700, s12, s10, $0x38;
	[tilespmem:$0x1E800] =	vst v63  }
0xc1: {  	_ =	swait.ge [sflag:s8], $0x18700  }
0xc2: {  	[sflag:s8] =	ssyncset.done $0x0  }
0xc3: {  	[sflag:s8] =	ssyncadd.s32 $0xFFFE7900  }
0xc4: {  	v0 =	vld [tilespmem:$0x1E700];
	_ =	sdelay $0x5  }
0xc5: {  	v1 =	vld [tilespmem:$0x1E710];
	_ =	sdelay $0x1  }
0xc6: {  	v0 =	vld.idx.msk [tilespmem:v0+s22+$0x0], $0xffff;
	_ =	sdelay $0x3  }
0xc7: {  	v2 =	vld [tilespmem:$0x1E720]  }
0xc8: {  	[tilespmem:$0x1E780] =	vst v0  }
0xc9: {  	v0 =	vld.idx.msk [tilespmem:v1+s22+$0x0], $0xffff;
	_ =	sdelay $0x3  }
0xca: {  	v1 =	vld [tilespmem:$0x1E730]  }
0xcb: {  	[tilespmem:$0x1E790] =	vst v0  }
0xcc: {  	v0 =	vld.idx.msk [tilespmem:v2+s22+$0x0], $0xffff;
	_ =	sdelay $0x4  }
0xcd: {  	[tilespmem:$0x1E7A0] =	vst v0  }
0xce: {  	v0 =	vld.idx.msk [tilespmem:v1+s22+$0x0], $0xffff;
	_ =	sdelay $0x4  }
0xcf: {  	s24 =	rddreg [dreg:$0x11];
	[tilespmem:$0x1E7B0] =	vst v0  }
0xd0: {  	[hbm4b:s24+s22] =	stream.linear.scatter [tilespmem:s19], [sflag:$0x2], $0x40, $0x38;
	[tilespmem:$0x1E800] =	vst v63  }
0xd1: {  	_ =	swait.ge [sflag:s8], $0x40  }
0xd2: {  	[sflag:s8] =	ssyncset.done $0x0  }
0xd3: {  	s24 =	rddreg [dreg:$0xf];
	[sflag:s8] =	ssyncadd.s32 $0xFFFFFFC0  }
0xd4: {  	[tilespmem:s22], [sflag:$0x2] =	stream.strided.gather [hbm4b:s24+s10], $0x18700, s12, s10, $0x38;
	[tilespmem:$0x1E800] =	vst v63  }
0xd5: {  	_ =	swait.ge [sflag:s8], $0x18700  }
0xd6: {  	[sflag:s8] =	ssyncset.done $0x0  }
0xd7: {  	[sflag:s8] =	ssyncadd.s32 $0xFFFE7900  }
0xd8: {  	[tilespmem:s14], [sflag:$0x2] =	stream.linear.gather [hbm4b:s0+s22], $0x2000, $0x38;
	[tilespmem:$0x1E800] =	vst v63  }
0xd9: {  	_ =	swait.ge [sflag:s8], $0x2000  }
0xda: {  	[sflag:s8] =	ssyncset.done $0x0  }
0xdb: {  	s22 =	simm.s32 $0x0;
	[sflag:s8] =	ssyncadd.s32 $0xFFFFE000  }
0xdc: {  	v0 =	vld [tilespmem:s22+$0x18700];
	_ =	sdelay $0x7  }
0xdd: {  	s23 =	simm.s32 $0x10;
	s24 =	simm.s32 $0x80;
	v0 =	vld.idx.msk [tilespmem:v0+s4+$0x0], $0xffff  }
.LBB2_18:
0xde: {  	p0 =	sne.s32 s24, $0x7FC0;
	v1 =	vld [tilespmem:s23+$0x18700];
	_ =	sdelay $0x3  }
.Ltmp8:
0xdf: {  	(pc) =	sbr.rel @p0 .LBB2_18-.Ltmp8, $2  }
0xe0: {  	[tilespmem:s22+$0x1A700] =	vst v0;
	s22 =	smov.u32 s23;
	_ =	sdelay $0x2  }
0xe1: {  	s23 =	sshra.s32 s24, $0x2;
	s24 =	sadd.s32 $0x40, s24;
	v0 =	vld.idx.msk [tilespmem:v1+s4+$0x0], $0xffff  }
0xe2: {  	v1 =	vld [tilespmem:s23+$0x18700];
	_ =	sdelay $0x6  }
0xe3: {  	[tilespmem:s22+$0x1A700] =	vst v0  }
0xe4: {  	v0 =	vld.idx.msk [tilespmem:v1+s4+$0x0], $0xffff;
	_ =	sdelay $0x4  }
0xe5: {  	s24 =	rddreg [dreg:$0xc];
	s22 =	simm.s32 $0x0;
	[tilespmem:s23+$0x1A700] =	vst v0  }
0xe6: {  	[hbm4b:s24+s22] =	stream.linear.scatter [tilespmem:s16], [sflag:$0x1], $0x2000, $0x38;
	[tilespmem:$0x1E800] =	vst v63  }
0xe7: {  	_ = 	snop  }
0xe8: {  	[tilespmem:s14], [sflag:$0x2] =	stream.linear.gather [hbm4b:s7+s22], $0x2000, $0x38;
	[tilespmem:$0x1E800] =	vst v63  }
0xe9: {  	_ =	swait.ge [sflag:s8], $0x2000  }
0xea: {  	[sflag:s8] =	ssyncset.done $0x0  }
0xeb: {  	s22 =	simm.s32 $0x0;
	[sflag:s8] =	ssyncadd.s32 $0xFFFFE000  }
0xec: {  	v0 =	vld [tilespmem:s22+$0x18700];
	_ =	sdelay $0x7  }
0xed: {  	s23 =	simm.s32 $0x10;
	s24 =	simm.s32 $0x80;
	v0 =	vld.idx.msk [tilespmem:v0+s4+$0x0], $0xffff  }
.LBB2_20:
0xee: {  	p0 =	sne.s32 s24, $0x7FC0;
	v1 =	vld [tilespmem:s23+$0x18700];
	_ =	sdelay $0x3  }
.Ltmp9:
0xef: {  	(pc) =	sbr.rel @p0 .LBB2_20-.Ltmp9, $2  }
0xf0: {  	[tilespmem:s22+$0x1C700] =	vst v0;
	s22 =	smov.u32 s23;
	_ =	sdelay $0x2  }
0xf1: {  	s23 =	sshra.s32 s24, $0x2;
	s24 =	sadd.s32 $0x40, s24;
	v0 =	vld.idx.msk [tilespmem:v1+s4+$0x0], $0xffff  }
0xf2: {  	v1 =	vld [tilespmem:s23+$0x18700];
	_ =	sdelay $0x6  }
0xf3: {  	[tilespmem:s22+$0x1C700] =	vst v0  }
0xf4: {  	v0 =	vld.idx.msk [tilespmem:v1+s4+$0x0], $0xffff;
	_ =	sdelay $0x4  }
0xf5: {  	s24 =	simm.s32 $0x0;
	[tilespmem:s23+$0x1C700] =	vst v0  }
0xf6: {  	[hbm4b:s29+s24] =	stream.linear.scatter [tilespmem:s17], [sflag:$0x1], $0x2000, $0x38;
	[tilespmem:$0x1E800] =	vst v63  }
0xf7: {  	_ = 	snop  }
0xf8: {  	[tilespmem:s14], [sflag:$0x2] =	stream.linear.gather [hbm4b:s9+s24], $0x2000, $0x38;
	[tilespmem:$0x1E800] =	vst v63  }
0xf9: {  	_ =	swait.ge [sflag:s8], $0x2000  }
0xfa: {  	[sflag:s8] =	ssyncset.done $0x0  }
0xfb: {  	[sflag:s8] =	ssyncadd.s32 $0xFFFFE000  }
0xfc: {  	_ =	swait.ge [sflag:s18], $0x2000  }
0xfd: {  	[sflag:s18] =	ssyncset.done $0x0  }
0xfe: {  	s22 =	simm.s32 $0x0;
	[sflag:s18] =	ssyncadd.s32 $0xFFFFE000  }
0xff: {  	v0 =	vld [tilespmem:s22+$0x18700];
	_ =	sdelay $0x7  }
0x100: {  	s23 =	simm.s32 $0x10;
	s24 =	simm.s32 $0x80;
	v0 =	vld.idx.msk [tilespmem:v0+s4+$0x0], $0xffff  }
.LBB2_22:
0x101: {  	p0 =	sne.s32 s24, $0x7FC0;
	v1 =	vld [tilespmem:s23+$0x18700];
	_ =	sdelay $0x3  }
.Ltmp10:
0x102: {  	(pc) =	sbr.rel @p0 .LBB2_22-.Ltmp10, $2  }
0x103: {  	[tilespmem:s22+$0x1A700] =	vst v0;
	s22 =	smov.u32 s23;
	_ =	sdelay $0x2  }
0x104: {  	s23 =	sshra.s32 s24, $0x2;
	s24 =	sadd.s32 $0x40, s24;
	v0 =	vld.idx.msk [tilespmem:v1+s4+$0x0], $0xffff  }
0x105: {  	v1 =	vld [tilespmem:s23+$0x18700];
	_ =	sdelay $0x6  }
0x106: {  	[tilespmem:s22+$0x1A700] =	vst v0  }
0x107: {  	v0 =	vld.idx.msk [tilespmem:v1+s4+$0x0], $0xffff;
	_ =	sdelay $0x4  }
0x108: {  	s24 =	simm.s32 $0x0;
	[tilespmem:s23+$0x1A700] =	vst v0  }
0x109: {  	[hbm4b:s30+s24] =	stream.linear.scatter [tilespmem:s16], [sflag:$0x1], $0x2000, $0x38;
	[tilespmem:$0x1E800] =	vst v63  }
0x10a: {  	_ = 	snop  }
0x10b: {  	[tilespmem:s14], [sflag:$0x2] =	stream.linear.gather [hbm4b:s11+s24], $0x2000, $0x38;
	[tilespmem:$0x1E800] =	vst v63  }
0x10c: {  	_ =	swait.ge [sflag:s8], $0x2000  }
0x10d: {  	[sflag:s8] =	ssyncset.done $0x0  }
0x10e: {  	[sflag:s8] =	ssyncadd.s32 $0xFFFFE000  }
0x10f: {  	_ =	swait.ge [sflag:s18], $0x2000  }
0x110: {  	[sflag:s18] =	ssyncset.done $0x0  }
0x111: {  	s22 =	simm.s32 $0x0;
	[sflag:s18] =	ssyncadd.s32 $0xFFFFE000  }
0x112: {  	v0 =	vld [tilespmem:s22+$0x18700];
	_ =	sdelay $0x7  }
0x113: {  	s23 =	simm.s32 $0x10;
	s24 =	simm.s32 $0x80;
	v0 =	vld.idx.msk [tilespmem:v0+s4+$0x0], $0xffff  }
.LBB2_24:
0x114: {  	p0 =	sne.s32 s24, $0x7FC0;
	v1 =	vld [tilespmem:s23+$0x18700];
	_ =	sdelay $0x3  }
.Ltmp11:
0x115: {  	(pc) =	sbr.rel @p0 .LBB2_24-.Ltmp11, $2  }
0x116: {  	[tilespmem:s22+$0x1C700] =	vst v0;
	s22 =	smov.u32 s23;
	_ =	sdelay $0x2  }
0x117: {  	s23 =	sshra.s32 s24, $0x2;
	s24 =	sadd.s32 $0x40, s24;
	v0 =	vld.idx.msk [tilespmem:v1+s4+$0x0], $0xffff  }
0x118: {  	v1 =	vld [tilespmem:s23+$0x18700];
	_ =	sdelay $0x6  }
0x119: {  	[tilespmem:s22+$0x1C700] =	vst v0  }
0x11a: {  	v0 =	vld.idx.msk [tilespmem:v1+s4+$0x0], $0xffff;
	_ =	sdelay $0x4  }
0x11b: {  	s24 =	simm.s32 $0x0;
	[tilespmem:s23+$0x1C700] =	vst v0  }
0x11c: {  	[hbm4b:s31+s24] =	stream.linear.scatter [tilespmem:s17], [sflag:$0x1], $0x2000, $0x38;
	[tilespmem:$0x1E800] =	vst v63  }
0x11d: {  	_ = 	snop  }
0x11e: {  	[tilespmem:s14], [sflag:$0x2] =	stream.linear.gather [hbm4b:s13+s24], $0x2000, $0x38;
	[tilespmem:$0x1E800] =	vst v63  }
0x11f: {  	_ =	swait.ge [sflag:s8], $0x2000  }
0x120: {  	[sflag:s8] =	ssyncset.done $0x0  }
0x121: {  	[sflag:s8] =	ssyncadd.s32 $0xFFFFE000  }
0x122: {  	_ =	swait.ge [sflag:s18], $0x2000  }
0x123: {  	[sflag:s18] =	ssyncset.done $0x0  }
0x124: {  	s22 =	simm.s32 $0x0;
	[sflag:s18] =	ssyncadd.s32 $0xFFFFE000  }
0x125: {  	v0 =	vld [tilespmem:s22+$0x18700];
	_ =	sdelay $0x7  }
0x126: {  	s23 =	simm.s32 $0x10;
	s24 =	simm.s32 $0x80;
	v0 =	vld.idx.msk [tilespmem:v0+s4+$0x0], $0xffff  }
.LBB2_26:
0x127: {  	p0 =	sne.s32 s24, $0x7FC0;
	v1 =	vld [tilespmem:s23+$0x18700];
	_ =	sdelay $0x3  }
.Ltmp12:
0x128: {  	(pc) =	sbr.rel @p0 .LBB2_26-.Ltmp12, $2  }
0x129: {  	[tilespmem:s22+$0x1A700] =	vst v0;
	s22 =	smov.u32 s23;
	_ =	sdelay $0x2  }
0x12a: {  	s23 =	sshra.s32 s24, $0x2;
	s24 =	sadd.s32 $0x40, s24;
	v0 =	vld.idx.msk [tilespmem:v1+s4+$0x0], $0xffff  }
0x12b: {  	v1 =	vld [tilespmem:s23+$0x18700];
	_ =	sdelay $0x6  }
0x12c: {  	[tilespmem:s22+$0x1A700] =	vst v0  }
0x12d: {  	v0 =	vld.idx.msk [tilespmem:v1+s4+$0x0], $0xffff;
	_ =	sdelay $0x4  }
0x12e: {  	s24 =	simm.s32 $0x0;
	[tilespmem:s23+$0x1A700] =	vst v0  }
0x12f: {  	[hbm4b:s1+s24] =	stream.linear.scatter [tilespmem:s16], [sflag:$0x1], $0x2000, $0x38;
	[tilespmem:$0x1E800] =	vst v63  }
0x130: {  	_ = 	snop  }
0x131: {  	[tilespmem:s14], [sflag:$0x2] =	stream.linear.gather [hbm4b:s15+s24], $0x2000, $0x38;
	[tilespmem:$0x1E800] =	vst v63  }
0x132: {  	_ =	swait.ge [sflag:s8], $0x2000  }
0x133: {  	[sflag:s8] =	ssyncset.done $0x0  }
0x134: {  	[sflag:s8] =	ssyncadd.s32 $0xFFFFE000  }
0x135: {  	_ =	swait.ge [sflag:s18], $0x2000  }
0x136: {  	[sflag:s18] =	ssyncset.done $0x0  }
0x137: {  	s22 =	simm.s32 $0x0;
	[sflag:s18] =	ssyncadd.s32 $0xFFFFE000  }
0x138: {  	v0 =	vld [tilespmem:s22+$0x18700];
	_ =	sdelay $0x7  }
0x139: {  	s23 =	simm.s32 $0x10;
	s24 =	simm.s32 $0x80;
	v0 =	vld.idx.msk [tilespmem:v0+s4+$0x0], $0xffff  }
.LBB2_28:
0x13a: {  	p0 =	sne.s32 s24, $0x7FC0;
	v1 =	vld [tilespmem:s23+$0x18700];
	_ =	sdelay $0x3  }
.Ltmp13:
0x13b: {  	(pc) =	sbr.rel @p0 .LBB2_28-.Ltmp13, $2  }
0x13c: {  	[tilespmem:s22+$0x1C700] =	vst v0;
	s22 =	smov.u32 s23;
	_ =	sdelay $0x2  }
0x13d: {  	s23 =	sshra.s32 s24, $0x2;
	s24 =	sadd.s32 $0x40, s24;
	v0 =	vld.idx.msk [tilespmem:v1+s4+$0x0], $0xffff  }
0x13e: {  	v1 =	vld [tilespmem:s23+$0x18700];
	_ =	sdelay $0x6  }
0x13f: {  	[tilespmem:s22+$0x1C700] =	vst v0  }
0x140: {  	v0 =	vld.idx.msk [tilespmem:v1+s4+$0x0], $0xffff;
	_ =	sdelay $0x4  }
0x141: {  	s24 =	simm.s32 $0x0;
	[tilespmem:s23+$0x1C700] =	vst v0  }
0x142: {  	[hbm4b:s2+s24] =	stream.linear.scatter [tilespmem:s17], [sflag:$0x1], $0x2000, $0x38;
	[tilespmem:$0x1E800] =	vst v63  }
0x143: {  	_ = 	snop  }
0x144: {  	[tilespmem:s14], [sflag:$0x2] =	stream.linear.gather [hbm4b:s21+s24], $0x2000, $0x38;
	[tilespmem:$0x1E800] =	vst v63  }
0x145: {  	_ =	swait.ge [sflag:s8], $0x2000  }
0x146: {  	[sflag:s8] =	ssyncset.done $0x0  }
0x147: {  	[sflag:s8] =	ssyncadd.s32 $0xFFFFE000  }
0x148: {  	_ =	swait.ge [sflag:s18], $0x2000  }
0x149: {  	[sflag:s18] =	ssyncset.done $0x0  }
0x14a: {  	s22 =	simm.s32 $0x0;
	[sflag:s18] =	ssyncadd.s32 $0xFFFFE000  }
0x14b: {  	v0 =	vld [tilespmem:s22+$0x18700];
	_ =	sdelay $0x7  }
0x14c: {  	s23 =	simm.s32 $0x10;
	s24 =	simm.s32 $0x80;
	v0 =	vld.idx.msk [tilespmem:v0+s4+$0x0], $0xffff  }
.LBB2_30:
0x14d: {  	p0 =	sne.s32 s24, $0x7FC0;
	v1 =	vld [tilespmem:s23+$0x18700];
	_ =	sdelay $0x3  }
.Ltmp14:
0x14e: {  	(pc) =	sbr.rel @p0 .LBB2_30-.Ltmp14, $2  }
0x14f: {  	[tilespmem:s22+$0x1A700] =	vst v0;
	s22 =	smov.u32 s23;
	_ =	sdelay $0x2  }
0x150: {  	s23 =	sshra.s32 s24, $0x2;
	s24 =	sadd.s32 $0x40, s24;
	v0 =	vld.idx.msk [tilespmem:v1+s4+$0x0], $0xffff  }
0x151: {  	v1 =	vld [tilespmem:s23+$0x18700];
	_ =	sdelay $0x6  }
0x152: {  	[tilespmem:s22+$0x1A700] =	vst v0  }
0x153: {  	v0 =	vld.idx.msk [tilespmem:v1+s4+$0x0], $0xffff;
	_ =	sdelay $0x4  }
0x154: {  	s24 =	simm.s32 $0x0;
	[tilespmem:s23+$0x1A700] =	vst v0  }
0x155: {  	[hbm4b:s3+s24] =	stream.linear.scatter [tilespmem:s16], [sflag:$0x1], $0x2000, $0x38;
	[tilespmem:$0x1E800] =	vst v63  }
0x156: {  	_ = 	snop  }
0x157: {  	[tilespmem:s14], [sflag:$0x2] =	stream.linear.gather [hbm4b:s26+s24], $0x2000, $0x38;
	[tilespmem:$0x1E800] =	vst v63  }
0x158: {  	_ =	swait.ge [sflag:s8], $0x2000  }
0x159: {  	[sflag:s8] =	ssyncset.done $0x0  }
0x15a: {  	[sflag:s8] =	ssyncadd.s32 $0xFFFFE000  }
0x15b: {  	_ =	swait.ge [sflag:s18], $0x2000  }
0x15c: {  	[sflag:s18] =	ssyncset.done $0x0  }
0x15d: {  	s22 =	simm.s32 $0x0;
	[sflag:s18] =	ssyncadd.s32 $0xFFFFE000  }
0x15e: {  	v0 =	vld [tilespmem:s22+$0x18700];
	_ =	sdelay $0x7  }
0x15f: {  	s23 =	simm.s32 $0x10;
	s24 =	simm.s32 $0x80;
	v0 =	vld.idx.msk [tilespmem:v0+s4+$0x0], $0xffff  }
.LBB2_32:
0x160: {  	p0 =	sne.s32 s24, $0x7FC0;
	v1 =	vld [tilespmem:s23+$0x18700];
	_ =	sdelay $0x3  }
.Ltmp15:
0x161: {  	(pc) =	sbr.rel @p0 .LBB2_32-.Ltmp15, $2  }
0x162: {  	[tilespmem:s22+$0x1C700] =	vst v0;
	s22 =	smov.u32 s23;
	_ =	sdelay $0x2  }
0x163: {  	s23 =	sshra.s32 s24, $0x2;
	s24 =	sadd.s32 $0x40, s24;
	v0 =	vld.idx.msk [tilespmem:v1+s4+$0x0], $0xffff  }
0x164: {  	v1 =	vld [tilespmem:s23+$0x18700];
	_ =	sdelay $0x6  }
0x165: {  	[tilespmem:s22+$0x1C700] =	vst v0  }
0x166: {  	v0 =	vld.idx.msk [tilespmem:v1+s4+$0x0], $0xffff;
	_ =	sdelay $0x4  }
0x167: {  	[tilespmem:s23+$0x1C700] =	vst v0  }
0x168: {  	[hbm4b:s5+s4] =	stream.linear.scatter [tilespmem:s17], [sflag:$0x1], $0x2000, $0x38;
	[tilespmem:$0x1E800] =	vst v63  }
0x169: {  	_ =	swait.ge [sflag:s18], $0x2000  }
0x16a: {  	[sflag:s18] =	ssyncset.done $0x0  }
0x16b: {  	[sflag:s18] =	ssyncadd.s32 $0xFFFFE000  }
0x16c: {  	_ =	swait.ge [sflag:s18], $0x2000  }
0x16d: {  	[sflag:s18] =	ssyncset.done $0x0  }
0x16e: {  	s23 =	rddreg [dreg:$0x10];
	[sflag:s18] =	ssyncadd.s32 $0xFFFFE000  }
0x16f: {  	[tilespmem:s4], [sflag:$0x2] =	stream.strided.gather [hbm4b:s23+s10], $0x18700, s12, s10, $0x38;
	[tilespmem:$0x1E800] =	vst v63  }
0x170: {  	_ =	swait.ge [sflag:s8], $0x18700  }
0x171: {  	[sflag:s8] =	ssyncset.done $0x0  }
0x172: {  	[sflag:s8] =	ssyncadd.s32 $0xFFFE7900  }
0x173: {  	v61 =	vld [tilespmem:$0x1E700];
	_ =	sdelay $0x5  }
0x174: {  	v62 =	vld [tilespmem:$0x1E710];
	_ =	sdelay $0x1  }
0x175: {  	v0 =	vld.idx.msk [tilespmem:v61+s4+$0x0], $0xffff;
	_ =	sdelay $0x3  }
0x176: {  	v2 =	vld [tilespmem:$0x1E720]  }
0x177: {  	[tilespmem:$0x1E780] =	vst v0  }
0x178: {  	v0 =	vld.idx.msk [tilespmem:v62+s4+$0x0], $0xffff;
	_ =	sdelay $0x3  }
0x179: {  	v63 =	vld [tilespmem:$0x1E730]  }
0x17a: {  	[tilespmem:$0x1E790] =	vst v0  }
0x17b: {  	v0 =	vld.idx.msk [tilespmem:v2+s4+$0x0], $0xffff;
	_ =	sdelay $0x4  }
0x17c: {  	[tilespmem:$0x1E7A0] =	vst v0  }
0x17d: {  	v0 =	vld.idx.msk [tilespmem:v63+s4+$0x0], $0xffff;
	_ =	sdelay $0x2  }
0x17e: {  	s20 =	sadd.s32 $0x1, s20  }
0x17f: {  	p0 =	sne.s32 s20, s25  }
.Ltmp16:
0x180: {  	s24 =	rddreg [dreg:$0x12];
	[tilespmem:$0x1E7B0] =	vst v0;
	(pc) =	sbr.rel @p0 .LBB2_1-.Ltmp16, $4  }
0x181: {  	[hbm4b:s24+s4] =	stream.linear.scatter [tilespmem:s19], [sflag:$0x2], $0x40, $0x38;
	[tilespmem:$0x1E800] =	vst v63  }
0x182: {  	_ =	swait.ge [sflag:s8], $0x40  }
0x183: {  	[sflag:s8] =	ssyncset.done $0x0  }
0x184: {  	[sflag:s8] =	ssyncadd.s32 $0xFFFFFFC0  }
0x185: {  	_ =	sfence.sel $0x180000  }
0x186: {  	[bflag:$0x0] =	sbarrier.arrive $0xFFFF  }
0x187: {  	_ =	strace $0x90000047  }
0x188: {  	s0 =	stileid.u32;
	[bflag:$0x2] =	sbarrier.arrive $0xFFFF  }
0x189: {  	p0 =	sne.s32 s0, $0x0;
	s0 =	rddreg [dreg:$0x6]  }
0x18a: {  	s0 =	sadd.s32 @!p0 $0x100000, s0  }
0x18b: {  	[sflag:s0] =	ssyncadd.tile.s32 @!p0 $0x1;
	_ =	shalt  }
.Lfunc_end2:
_tile_overlayer_lowered:
.L_overlay_start_2:
0x18c: {  	(tag) =	ssettag $0x2  }
0x18d: {  	s0 =	rddreg [dreg:$0x0];
	s2 =	stileid.u32  }
0x18e: {  	s1 =	rddreg [dreg:$0x1];
	p0 =	sne.s32 s2, $0x0  }
0x18f: {  	s3 =	rddreg [dreg:$0x2];
	[bflag:$0x3] =	sbarrier.arrive $0xFFFF;
	s2 =	simm.s32 @!p0 $0x1C02  }
0x190: {  	[timem:s3], [sflag:s2] =	dma.local @!p0 [hbm:s0], s1  }
0x191: {  	s0 =	simm.s32 @!p0 $0x2  }
0x192: {  	_ =	swait.ge @!p0 [sflag:s0], s1  }
0x193: {  	s1 =	ssub.s32 @!p0 $0x0, s1;
	[sflag:s0] =	ssyncset.done @!p0 $0x0  }
0x194: {  	[sflag:s0] =	ssyncadd.s32 @!p0 s1  }
0x195: {  	[bflag:$0x3] =	sbarrier.arrive $0xFFFF  }
0x196: {  	_ =	shalt  }

</sc_bundles>
